<compile_context>
chip_gen: v7x
topology: tpu7x:2x2x1
jax: 0.10.2.dev20260603
libtpu: 0.0.44.dev20260713+nightly
codegen_flags: <defaults>
</compile_context>

<pallas_src>
import functools

import jax
import jax.numpy as jnp
from jax import lax
from jax.experimental import pallas as pl
from jax.experimental.pallas import tpu as pltpu
from jax.experimental.pallas import tpu_sc as plsc

N_NODES = 10000
N_EDGES = 320000
D = 128

NC = 2
NS = 16
NW = NC * NS

CHUNK = 40
NCHUNK = 250
EDGES_PER_W = NCHUNK * CHUNK
NBUF = 5
GD = 4

N_PAD = 10240
ROWS_PER_TILE = N_PAD // NS


def _matmul_norm_kernel(h_ref, w_ref, norm_ref, out_ref, z_ref):
    out_ref[...] = (
        jnp.dot(h_ref[...], w_ref[...], preferred_element_type=jnp.float32)
        * norm_ref[...]
    )
    z_ref[...] = jnp.zeros_like(z_ref)


def _matmul_norm(h, W, norm):
    nb = 10
    bs = N_NODES // nb
    zbs = N_PAD // nb
    return pl.pallas_call(
        _matmul_norm_kernel,
        grid=(nb,),
        in_specs=[
            pl.BlockSpec((bs, D), lambda i: (i, 0)),
            pl.BlockSpec((D, D), lambda i: (0, 0)),
            pl.BlockSpec((bs, 1), lambda i: (i, 0)),
        ],
        out_specs=[
            pl.BlockSpec((bs, D), lambda i: (i, 0)),
            pl.BlockSpec((zbs, D), lambda i: (i, 0)),
        ],
        out_shape=[
            jax.ShapeDtypeStruct((N_NODES, D), jnp.float32),
            jax.ShapeDtypeStruct((N_PAD, D), jnp.float32),
        ],
    )(h, W, norm)


def _finish_kernel(p_ref, b_ref, out_ref):
    out_ref[...] = jnp.maximum(p_ref[0] + p_ref[1] + b_ref[...], 0.0)


def _finish(partials, b):
    nb = 10
    bs = N_NODES // nb
    return pl.pallas_call(
        _finish_kernel,
        grid=(nb,),
        in_specs=[
            pl.BlockSpec((NC, bs, D), lambda i: (0, i, 0)),
            pl.BlockSpec((1, D), lambda i: (0, 0)),
        ],
        out_specs=pl.BlockSpec((bs, D), lambda i: (i, 0)),
        out_shape=jax.ShapeDtypeStruct((N_NODES, D), jnp.float32),
    )(partials, b)


def _sc_scatter(normh, src_r, dst_r, zeros):
    mesh = plsc.VectorSubcoreMesh(core_axis_name="c", subcore_axis_name="s")

    @functools.partial(
        pl.kernel,
        mesh=mesh,
        out_type=jax.ShapeDtypeStruct((NC, N_PAD, D), jnp.float32),
        scratch_types=[
            pltpu.VMEM((NCHUNK * CHUNK,), jnp.int32),
            pltpu.VMEM((NCHUNK * CHUNK,), jnp.int32),
            [pltpu.VMEM((CHUNK, D), jnp.float32) for _ in range(NBUF)],
            pltpu.VMEM_SHARED((N_PAD, D), jnp.float32),
            [pltpu.SemaphoreType.DMA for _ in range(NBUF)],
            [pltpu.SemaphoreType.DMA for _ in range(NBUF)],
        ],
    )
    def k(normh_hbm, src_hbm, dst_hbm, zeros_hbm, out_hbm,
          src_v, dst_v, rows, acc, gsem, ssem):
        cid = lax.axis_index("c")
        sid = lax.axis_index("s")
        wid = cid * NS + sid

        pltpu.sync_copy(src_hbm.at[wid], src_v)
        pltpu.sync_copy(dst_hbm.at[wid], dst_v)
        pltpu.sync_copy(
            zeros_hbm.at[pl.ds(sid * ROWS_PER_TILE, ROWS_PER_TILE)],
            acc.at[pl.ds(sid * ROWS_PER_TILE, ROWS_PER_TILE)],
        )
        plsc.subcore_barrier()

        def gather_start(j, b):
            pltpu.async_copy(normh_hbm.at[src_v.at[pl.ds(j * CHUNK, CHUNK)]],
                             rows[b], gsem[b])

        def gather_wait(j, b):
            pltpu.make_async_copy(
                normh_hbm.at[src_v.at[pl.ds(j * CHUNK, CHUNK)]], rows[b],
                gsem[b]).wait()

        def scatter_start(j, b):
            pltpu.async_copy(rows[b], acc.at[dst_v.at[pl.ds(j * CHUNK, CHUNK)]],
                             ssem[b], add=True)

        def scatter_wait(j, b):
            pltpu.make_async_copy(rows[b],
                                  acc.at[dst_v.at[pl.ds(j * CHUNK, CHUNK)]],
                                  ssem[b]).wait()

        for j in range(GD):
            gather_start(j, j)
        for j in range(NBUF):
            gather_wait(j, j)
            scatter_start(j, j)
            if j >= NBUF - GD:
                scatter_wait(j - (NBUF - GD), (j - (NBUF - GD)) % NBUF)
            gather_start(j + GD, (j + GD) % NBUF)

        def steady(i, carry):
            for u in range(NBUF):
                j = i * NBUF + u
                gather_wait(j, u)
                scatter_start(j, u)
                scatter_wait(j - (NBUF - GD), (u - (NBUF - GD)) % NBUF)
                gather_start(j + GD, (u + GD) % NBUF)
            return carry

        lax.fori_loop(1, NCHUNK // NBUF - 1, steady, 0)

        for j in range(NCHUNK - NBUF, NCHUNK):
            u = j % NBUF
            gather_wait(j, u)
            scatter_start(j, u)
            scatter_wait(j - (NBUF - GD), (u - (NBUF - GD)) % NBUF)
            if j + GD < NCHUNK:
                gather_start(j + GD, (u + GD) % NBUF)
        for j in range(NCHUNK - (NBUF - GD), NCHUNK):
            scatter_wait(j, j % NBUF)

        plsc.subcore_barrier()
        pltpu.sync_copy(
            acc.at[pl.ds(sid * ROWS_PER_TILE, ROWS_PER_TILE)],
            out_hbm.at[cid, pl.ds(sid * ROWS_PER_TILE, ROWS_PER_TILE)],
        )

    return k(normh, src_r, dst_r, zeros)


def kernel(h, edge_index, norm, W, b):
    normh, zeros = _matmul_norm(h, W, norm)
    src_r = edge_index[0].reshape(NW, EDGES_PER_W)
    dst_r = edge_index[1].reshape(NW, EDGES_PER_W)
    partials = _sc_scatter(normh, src_r, dst_r, zeros)
    return _finish(partials, b.reshape(1, D))

# --- scband reference (transcript-rebuilt; emitter-appended) ---
"""Pipeline reference for scband-gcnlayer-3470333575494 (READ-ONLY COPY).

The authoritative reference and input builder live on the scoring server;
editing this copy changes nothing except your own understanding.
"""

import jax, jax.numpy as jnp
import numpy as np

N_NODES = 10000
N_EDGES = 320000
D_IN = 128
D_OUT = 128

def setup_inputs(seed: int = 0) -> dict:
    key = jax.random.key(seed)
    k1, k2, k3, k4 = jax.random.split(key, 4)
    h = jax.random.normal(k1, (N_NODES, D_IN), dtype=jnp.float32)
    edge_index = jax.random.randint(k2, (2, N_EDGES), 0, N_NODES, dtype=jnp.int32)
    # symmetric-normalization coefficient per node (as stored in g.ndata['norm'])
    norm = jax.random.uniform(k3, (N_NODES, 1), dtype=jnp.float32, minval=0.01, maxval=1.0)
    # VarianceScaling(scale=1.0, mode='fan_out', distribution='uniform') -> limit = sqrt(3/fan_out)
    limit = np.sqrt(3.0 / D_OUT)
    W = jax.random.uniform(k4, (D_IN, D_OUT), dtype=jnp.float32, minval=-limit, maxval=limit)
    b = jnp.zeros((D_OUT,), dtype=jnp.float32)
    return {"h": h, "edge_index": edge_index, "norm": norm, "W": W, "b": b}

def reference(h, edge_index, norm, W, b):
    # dropout rate is 0.0 -> identity (and inference mode anyway)
    hw = jnp.matmul(h, W)                       # g.ndata['h'] = h @ weight
    norm_h = hw * norm                          # g.ndata['norm_h'] = h * norm
    src = edge_index[0]
    dst = edge_index[1]
    msgs = jnp.take(norm_h, src, axis=0)        # fn.copy_src('norm_h', 'm')
    agg = jax.ops.segment_sum(msgs, dst, num_segments=N_NODES)  # fn.sum('m', 'h')
    out = agg + b                               # + bias
    return jax.nn.relu(out)                     # activation

if __name__ == "__main__":
    import jax
    _d = setup_inputs()
    print(jax.jit(kernel)(*tuple(_d.values())))

</pallas_src>

<mosaic_0001>
#map = affine_map<(d0, d1) -> (0, 0)>
#map1 = affine_map<(d0, d1) -> (0, 0, 0)>
module attributes {stable_mosaic.version = 14 : i64} {
  func.func @k(%arg0: i32, %arg1: i32, %arg2: memref<10000x128xf32, #tpu.memory_space<hbm>>, %arg3: memref<32x10000xi32, #tpu.memory_space<hbm>>, %arg4: memref<32x10000xi32, #tpu.memory_space<hbm>>, %arg5: memref<10240x128xf32, #tpu.memory_space<hbm>>, %arg6: memref<2x10240x128xf32, #tpu.memory_space<hbm>>, %arg7: memref<10000xi32, #tpu.memory_space<vmem>>, %arg8: memref<10000xi32, #tpu.memory_space<vmem>>, %arg9: memref<40x128xf32, #tpu.memory_space<vmem>>, %arg10: memref<40x128xf32, #tpu.memory_space<vmem>>, %arg11: memref<40x128xf32, #tpu.memory_space<vmem>>, %arg12: memref<40x128xf32, #tpu.memory_space<vmem>>, %arg13: memref<40x128xf32, #tpu.memory_space<vmem>>, %arg14: memref<10240x128xf32, #tpu.memory_space<vmem_shared>>, %arg15: memref<!tpu.dma_semaphore, #tpu.memory_space<semaphore_mem>>, %arg16: memref<!tpu.dma_semaphore, #tpu.memory_space<semaphore_mem>>, %arg17: memref<!tpu.dma_semaphore, #tpu.memory_space<semaphore_mem>>, %arg18: memref<!tpu.dma_semaphore, #tpu.memory_space<semaphore_mem>>, %arg19: memref<!tpu.dma_semaphore, #tpu.memory_space<semaphore_mem>>, %arg20: memref<!tpu.dma_semaphore, #tpu.memory_space<semaphore_mem>>, %arg21: memref<!tpu.dma_semaphore, #tpu.memory_space<semaphore_mem>>, %arg22: memref<!tpu.dma_semaphore, #tpu.memory_space<semaphore_mem>>, %arg23: memref<!tpu.dma_semaphore, #tpu.memory_space<semaphore_mem>>, %arg24: memref<!tpu.dma_semaphore, #tpu.memory_space<semaphore_mem>>) attributes {dimension_semantics = [#tpu.dimension_semantics<core_parallel>, #tpu.dimension_semantics<subcore_parallel>], iteration_bounds = array<i64: 2, 16>, scalar_prefetch = 0 : i64, scratch_operands = 18 : i64, tpu.core_type = #tpu.core_type<sc_vector_subcore>, window_params = [{transform_indices = #map}, {transform_indices = #map}, {transform_indices = #map}, {transform_indices = #map}, {transform_indices = #map1}]} {
    %mul3A = arith.constant 16 : i32
    %mul3A_0 = arith.muli %arg0, %mul3A : i32
    %add3A = arith.addi %mul3A_0, %arg1 : i32
    "tpu.region"() ({
      %run_scoped3A = tpu.sem_alloc : memref<!tpu.dma_semaphore, #tpu.memory_space<semaphore_mem>>
      %dma_start3A_213 = arith.constant 0 : i32
      %dma_start3A_214 = tpu.memref_slice %arg3[%add3A, %dma_start3A_213] : memref<32x10000xi32, #tpu.memory_space<hbm>> -> memref<1x10000xi32, #tpu.memory_space<hbm>>
      %dma_start3A_215 = tpu.memref_squeeze %dma_start3A_214 : memref<1x10000xi32, #tpu.memory_space<hbm>> -> memref<10000xi32, #tpu.memory_space<hbm>>
      %dma_start3A_216 = arith.constant 0 : i32
      %dma_start3A_217 = tpu.memref_slice %arg3[%add3A, %dma_start3A_216] : memref<32x10000xi32, #tpu.memory_space<hbm>> -> memref<1x10000xi32, #tpu.memory_space<hbm>>
      %dma_start3A_218 = tpu.memref_squeeze %dma_start3A_217 : memref<1x10000xi32, #tpu.memory_space<hbm>> -> memref<10000xi32, #tpu.memory_space<hbm>>
      tpu.enqueue_dma source(%dma_start3A_218 : memref<10000xi32, #tpu.memory_space<hbm>>) target(%arg7 : memref<10000xi32, #tpu.memory_space<vmem>>) target_semaphore(%run_scoped3A : memref<!tpu.dma_semaphore, #tpu.memory_space<semaphore_mem>>)
      %dma_wait3A_219 = arith.constant 0 : i32
      %dma_wait3A_220 = tpu.memref_slice %arg3[%add3A, %dma_wait3A_219] : memref<32x10000xi32, #tpu.memory_space<hbm>> -> memref<1x10000xi32, #tpu.memory_space<hbm>>
      %dma_wait3A_221 = tpu.memref_squeeze %dma_wait3A_220 : memref<1x10000xi32, #tpu.memory_space<hbm>> -> memref<10000xi32, #tpu.memory_space<hbm>>
      %dma_wait3A_222 = arith.constant 0 : i32
      %dma_wait3A_223 = tpu.memref_slice %arg3[%add3A, %dma_wait3A_222] : memref<32x10000xi32, #tpu.memory_space<hbm>> -> memref<1x10000xi32, #tpu.memory_space<hbm>>
      %dma_wait3A_224 = tpu.memref_squeeze %dma_wait3A_223 : memref<1x10000xi32, #tpu.memory_space<hbm>> -> memref<10000xi32, #tpu.memory_space<hbm>>
      tpu.wait_dma2 semaphore(%run_scoped3A : memref<!tpu.dma_semaphore, #tpu.memory_space<semaphore_mem>>) src(%dma_wait3A_224 : memref<10000xi32, #tpu.memory_space<hbm>>) dst(%arg7 : memref<10000xi32, #tpu.memory_space<vmem>>)
      tpu.yield
    }) : () -> ()
    "tpu.region"() ({
      %run_scoped3A = tpu.sem_alloc : memref<!tpu.dma_semaphore, #tpu.memory_space<semaphore_mem>>
      %dma_start3A_213 = arith.constant 0 : i32
      %dma_start3A_214 = tpu.memref_slice %arg4[%add3A, %dma_start3A_213] : memref<32x10000xi32, #tpu.memory_space<hbm>> -> memref<1x10000xi32, #tpu.memory_space<hbm>>
      %dma_start3A_215 = tpu.memref_squeeze %dma_start3A_214 : memref<1x10000xi32, #tpu.memory_space<hbm>> -> memref<10000xi32, #tpu.memory_space<hbm>>
      %dma_start3A_216 = arith.constant 0 : i32
      %dma_start3A_217 = tpu.memref_slice %arg4[%add3A, %dma_start3A_216] : memref<32x10000xi32, #tpu.memory_space<hbm>> -> memref<1x10000xi32, #tpu.memory_space<hbm>>
      %dma_start3A_218 = tpu.memref_squeeze %dma_start3A_217 : memref<1x10000xi32, #tpu.memory_space<hbm>> -> memref<10000xi32, #tpu.memory_space<hbm>>
      tpu.enqueue_dma source(%dma_start3A_218 : memref<10000xi32, #tpu.memory_space<hbm>>) target(%arg8 : memref<10000xi32, #tpu.memory_space<vmem>>) target_semaphore(%run_scoped3A : memref<!tpu.dma_semaphore, #tpu.memory_space<semaphore_mem>>)
      %dma_wait3A_219 = arith.constant 0 : i32
      %dma_wait3A_220 = tpu.memref_slice %arg4[%add3A, %dma_wait3A_219] : memref<32x10000xi32, #tpu.memory_space<hbm>> -> memref<1x10000xi32, #tpu.memory_space<hbm>>
      %dma_wait3A_221 = tpu.memref_squeeze %dma_wait3A_220 : memref<1x10000xi32, #tpu.memory_space<hbm>> -> memref<10000xi32, #tpu.memory_space<hbm>>
      %dma_wait3A_222 = arith.constant 0 : i32
      %dma_wait3A_223 = tpu.memref_slice %arg4[%add3A, %dma_wait3A_222] : memref<32x10000xi32, #tpu.memory_space<hbm>> -> memref<1x10000xi32, #tpu.memory_space<hbm>>
      %dma_wait3A_224 = tpu.memref_squeeze %dma_wait3A_223 : memref<1x10000xi32, #tpu.memory_space<hbm>> -> memref<10000xi32, #tpu.memory_space<hbm>>
      tpu.wait_dma2 semaphore(%run_scoped3A : memref<!tpu.dma_semaphore, #tpu.memory_space<semaphore_mem>>) src(%dma_wait3A_224 : memref<10000xi32, #tpu.memory_space<hbm>>) dst(%arg8 : memref<10000xi32, #tpu.memory_space<vmem>>)
      tpu.yield
    }) : () -> ()
    %mul3A_1 = arith.constant 640 : i32
    %mul3A_2 = arith.muli %arg1, %mul3A_1 : i32
    %mul3A_3 = arith.constant 640 : i32
    %mul3A_4 = arith.muli %arg1, %mul3A_3 : i32
    "tpu.region"() ({
      %run_scoped3A = tpu.sem_alloc : memref<!tpu.dma_semaphore, #tpu.memory_space<semaphore_mem>>
      %dma_start3A_213 = arith.constant 0 : i32
      %dma_start3A_214 = tpu.memref_slice %arg14[%mul3A_4, %dma_start3A_213] : memref<10240x128xf32, #tpu.memory_space<vmem_shared>> -> memref<640x128xf32, #tpu.memory_space<vmem_shared>>
      %dma_start3A_215 = arith.constant 0 : i32
      %dma_start3A_216 = tpu.memref_slice %arg5[%mul3A_2, %dma_start3A_215] : memref<10240x128xf32, #tpu.memory_space<hbm>> -> memref<640x128xf32, #tpu.memory_space<hbm>>
      tpu.enqueue_dma source(%dma_start3A_216 : memref<640x128xf32, #tpu.memory_space<hbm>>) target(%dma_start3A_214 : memref<640x128xf32, #tpu.memory_space<vmem_shared>>) target_semaphore(%run_scoped3A : memref<!tpu.dma_semaphore, #tpu.memory_space<semaphore_mem>>)
      %dma_wait3A_217 = arith.constant 0 : i32
      %dma_wait3A_218 = tpu.memref_slice %arg14[%mul3A_4, %dma_wait3A_217] : memref<10240x128xf32, #tpu.memory_space<vmem_shared>> -> memref<640x128xf32, #tpu.memory_space<vmem_shared>>
      %dma_wait3A_219 = arith.constant 0 : i32
      %dma_wait3A_220 = tpu.memref_slice %arg5[%mul3A_2, %dma_wait3A_219] : memref<10240x128xf32, #tpu.memory_space<hbm>> -> memref<640x128xf32, #tpu.memory_space<hbm>>
      tpu.wait_dma2 semaphore(%run_scoped3A : memref<!tpu.dma_semaphore, #tpu.memory_space<semaphore_mem>>) src(%dma_wait3A_220 : memref<640x128xf32, #tpu.memory_space<hbm>>) dst(%dma_wait3A_218 : memref<640x128xf32, #tpu.memory_space<vmem_shared>>)
      tpu.yield
    }) : () -> ()
    %barrier3A = arith.constant 0 : index
    tpu.barrier barrier_id(%barrier3A)
    %dma_start3A = arith.constant 0 : i32
    %dma_start3A_5 = tpu.memref_slice %arg7[%dma_start3A] : memref<10000xi32, #tpu.memory_space<vmem>> -> memref<40xi32, #tpu.memory_space<vmem>>
    %dma_start3A_6 = arith.constant 0 : i32
    %dma_start3A_7 = arith.constant 0 : i32
    %dma_start3A_8 = tpu.memref_slice %arg2[%dma_start3A_6, %dma_start3A_7] : memref<10000x128xf32, #tpu.memory_space<hbm>> -> memref<10000x128xf32, #tpu.memory_space<hbm>>
    tpu.enqueue_indirect_dma source(%dma_start3A_8 : memref<10000x128xf32, #tpu.memory_space<hbm>>) target(%arg9 : memref<40x128xf32, #tpu.memory_space<vmem>>) offsets(%dma_start3A_5 : memref<40xi32, #tpu.memory_space<vmem>>) semaphore(%arg15 : memref<!tpu.dma_semaphore, #tpu.memory_space<semaphore_mem>>)
    %dma_start3A_9 = arith.constant 40 : i32
    %dma_start3A_10 = tpu.memref_slice %arg7[%dma_start3A_9] : memref<10000xi32, #tpu.memory_space<vmem>> -> memref<40xi32, #tpu.memory_space<vmem>>
    %dma_start3A_11 = arith.constant 0 : i32
    %dma_start3A_12 = arith.constant 0 : i32
    %dma_start3A_13 = tpu.memref_slice %arg2[%dma_start3A_11, %dma_start3A_12] : memref<10000x128xf32, #tpu.memory_space<hbm>> -> memref<10000x128xf32, #tpu.memory_space<hbm>>
    tpu.enqueue_indirect_dma source(%dma_start3A_13 : memref<10000x128xf32, #tpu.memory_space<hbm>>) target(%arg10 : memref<40x128xf32, #tpu.memory_space<vmem>>) offsets(%dma_start3A_10 : memref<40xi32, #tpu.memory_space<vmem>>) semaphore(%arg16 : memref<!tpu.dma_semaphore, #tpu.memory_space<semaphore_mem>>)
    %dma_start3A_14 = arith.constant 80 : i32
    %dma_start3A_15 = tpu.memref_slice %arg7[%dma_start3A_14] : memref<10000xi32, #tpu.memory_space<vmem>> -> memref<40xi32, #tpu.memory_space<vmem>>
    %dma_start3A_16 = arith.constant 0 : i32
    %dma_start3A_17 = arith.constant 0 : i32
    %dma_start3A_18 = tpu.memref_slice %arg2[%dma_start3A_16, %dma_start3A_17] : memref<10000x128xf32, #tpu.memory_space<hbm>> -> memref<10000x128xf32, #tpu.memory_space<hbm>>
    tpu.enqueue_indirect_dma source(%dma_start3A_18 : memref<10000x128xf32, #tpu.memory_space<hbm>>) target(%arg11 : memref<40x128xf32, #tpu.memory_space<vmem>>) offsets(%dma_start3A_15 : memref<40xi32, #tpu.memory_space<vmem>>) semaphore(%arg17 : memref<!tpu.dma_semaphore, #tpu.memory_space<semaphore_mem>>)
    %dma_start3A_19 = arith.constant 120 : i32
    %dma_start3A_20 = tpu.memref_slice %arg7[%dma_start3A_19] : memref<10000xi32, #tpu.memory_space<vmem>> -> memref<40xi32, #tpu.memory_space<vmem>>
    %dma_start3A_21 = arith.constant 0 : i32
    %dma_start3A_22 = arith.constant 0 : i32
    %dma_start3A_23 = tpu.memref_slice %arg2[%dma_start3A_21, %dma_start3A_22] : memref<10000x128xf32, #tpu.memory_space<hbm>> -> memref<10000x128xf32, #tpu.memory_space<hbm>>
    tpu.enqueue_indirect_dma source(%dma_start3A_23 : memref<10000x128xf32, #tpu.memory_space<hbm>>) target(%arg12 : memref<40x128xf32, #tpu.memory_space<vmem>>) offsets(%dma_start3A_20 : memref<40xi32, #tpu.memory_space<vmem>>) semaphore(%arg18 : memref<!tpu.dma_semaphore, #tpu.memory_space<semaphore_mem>>)
    %dma_wait3A = arith.constant 0 : i32
    %dma_wait3A_24 = tpu.memref_slice %arg7[%dma_wait3A] : memref<10000xi32, #tpu.memory_space<vmem>> -> memref<40xi32, #tpu.memory_space<vmem>>
    %dma_wait3A_25 = arith.constant 0 : i32
    %dma_wait3A_26 = arith.constant 0 : i32
    %dma_wait3A_27 = tpu.memref_slice %arg2[%dma_wait3A_25, %dma_wait3A_26] : memref<10000x128xf32, #tpu.memory_space<hbm>> -> memref<10000x128xf32, #tpu.memory_space<hbm>>
    tpu.wait_indirect_dma semaphore(%arg15 : memref<!tpu.dma_semaphore, #tpu.memory_space<semaphore_mem>>) src(%dma_wait3A_27 : memref<10000x128xf32, #tpu.memory_space<hbm>>) dst(%arg9 : memref<40x128xf32, #tpu.memory_space<vmem>>)
    %dma_start3A_28 = arith.constant 0 : i32
    %dma_start3A_29 = tpu.memref_slice %arg8[%dma_start3A_28] : memref<10000xi32, #tpu.memory_space<vmem>> -> memref<40xi32, #tpu.memory_space<vmem>>
    %dma_start3A_30 = arith.constant 0 : i32
    %dma_start3A_31 = arith.constant 0 : i32
    %dma_start3A_32 = tpu.memref_slice %arg14[%dma_start3A_30, %dma_start3A_31] : memref<10240x128xf32, #tpu.memory_space<vmem_shared>> -> memref<10240x128xf32, #tpu.memory_space<vmem_shared>>
    tpu.enqueue_indirect_dma source(%arg9 : memref<40x128xf32, #tpu.memory_space<vmem>>) target(%dma_start3A_32 : memref<10240x128xf32, #tpu.memory_space<vmem_shared>>) offsets(%dma_start3A_29 : memref<40xi32, #tpu.memory_space<vmem>>) semaphore(%arg20 : memref<!tpu.dma_semaphore, #tpu.memory_space<semaphore_mem>>) {add = true}
    %dma_start3A_33 = arith.constant 160 : i32
    %dma_start3A_34 = tpu.memref_slice %arg7[%dma_start3A_33] : memref<10000xi32, #tpu.memory_space<vmem>> -> memref<40xi32, #tpu.memory_space<vmem>>
    %dma_start3A_35 = arith.constant 0 : i32
    %dma_start3A_36 = arith.constant 0 : i32
    %dma_start3A_37 = tpu.memref_slice %arg2[%dma_start3A_35, %dma_start3A_36] : memref<10000x128xf32, #tpu.memory_space<hbm>> -> memref<10000x128xf32, #tpu.memory_space<hbm>>
    tpu.enqueue_indirect_dma source(%dma_start3A_37 : memref<10000x128xf32, #tpu.memory_space<hbm>>) target(%arg13 : memref<40x128xf32, #tpu.memory_space<vmem>>) offsets(%dma_start3A_34 : memref<40xi32, #tpu.memory_space<vmem>>) semaphore(%arg19 : memref<!tpu.dma_semaphore, #tpu.memory_space<semaphore_mem>>)
    %dma_wait3A_38 = arith.constant 40 : i32
    %dma_wait3A_39 = tpu.memref_slice %arg7[%dma_wait3A_38] : memref<10000xi32, #tpu.memory_space<vmem>> -> memref<40xi32, #tpu.memory_space<vmem>>
    %dma_wait3A_40 = arith.constant 0 : i32
    %dma_wait3A_41 = arith.constant 0 : i32
    %dma_wait3A_42 = tpu.memref_slice %arg2[%dma_wait3A_40, %dma_wait3A_41] : memref<10000x128xf32, #tpu.memory_space<hbm>> -> memref<10000x128xf32, #tpu.memory_space<hbm>>
    tpu.wait_indirect_dma semaphore(%arg16 : memref<!tpu.dma_semaphore, #tpu.memory_space<semaphore_mem>>) src(%dma_wait3A_42 : memref<10000x128xf32, #tpu.memory_space<hbm>>) dst(%arg10 : memref<40x128xf32, #tpu.memory_space<vmem>>)
    %dma_start3A_43 = arith.constant 40 : i32
    %dma_start3A_44 = tpu.memref_slice %arg8[%dma_start3A_43] : memref<10000xi32, #tpu.memory_space<vmem>> -> memref<40xi32, #tpu.memory_space<vmem>>
    %dma_start3A_45 = arith.constant 0 : i32
    %dma_start3A_46 = arith.constant 0 : i32
    %dma_start3A_47 = tpu.memref_slice %arg14[%dma_start3A_45, %dma_start3A_46] : memref<10240x128xf32, #tpu.memory_space<vmem_shared>> -> memref<10240x128xf32, #tpu.memory_space<vmem_shared>>
    tpu.enqueue_indirect_dma source(%arg10 : memref<40x128xf32, #tpu.memory_space<vmem>>) target(%dma_start3A_47 : memref<10240x128xf32, #tpu.memory_space<vmem_shared>>) offsets(%dma_start3A_44 : memref<40xi32, #tpu.memory_space<vmem>>) semaphore(%arg21 : memref<!tpu.dma_semaphore, #tpu.memory_space<semaphore_mem>>) {add = true}
    %dma_wait3A_48 = arith.constant 0 : i32
    %dma_wait3A_49 = tpu.memref_slice %arg8[%dma_wait3A_48] : memref<10000xi32, #tpu.memory_space<vmem>> -> memref<40xi32, #tpu.memory_space<vmem>>
    %dma_wait3A_50 = arith.constant 0 : i32
    %dma_wait3A_51 = arith.constant 0 : i32
    %dma_wait3A_52 = tpu.memref_slice %arg14[%dma_wait3A_50, %dma_wait3A_51] : memref<10240x128xf32, #tpu.memory_space<vmem_shared>> -> memref<10240x128xf32, #tpu.memory_space<vmem_shared>>
    tpu.wait_indirect_dma semaphore(%arg20 : memref<!tpu.dma_semaphore, #tpu.memory_space<semaphore_mem>>) src(%arg9 : memref<40x128xf32, #tpu.memory_space<vmem>>) dst(%dma_wait3A_52 : memref<10240x128xf32, #tpu.memory_space<vmem_shared>>)
    %dma_start3A_53 = arith.constant 200 : i32
    %dma_start3A_54 = tpu.memref_slice %arg7[%dma_start3A_53] : memref<10000xi32, #tpu.memory_space<vmem>> -> memref<40xi32, #tpu.memory_space<vmem>>
    %dma_start3A_55 = arith.constant 0 : i32
    %dma_start3A_56 = arith.constant 0 : i32
    %dma_start3A_57 = tpu.memref_slice %arg2[%dma_start3A_55, %dma_start3A_56] : memref<10000x128xf32, #tpu.memory_space<hbm>> -> memref<10000x128xf32, #tpu.memory_space<hbm>>
    tpu.enqueue_indirect_dma source(%dma_start3A_57 : memref<10000x128xf32, #tpu.memory_space<hbm>>) target(%arg9 : memref<40x128xf32, #tpu.memory_space<vmem>>) offsets(%dma_start3A_54 : memref<40xi32, #tpu.memory_space<vmem>>) semaphore(%arg15 : memref<!tpu.dma_semaphore, #tpu.memory_space<semaphore_mem>>)
    %dma_wait3A_58 = arith.constant 80 : i32
    %dma_wait3A_59 = tpu.memref_slice %arg7[%dma_wait3A_58] : memref<10000xi32, #tpu.memory_space<vmem>> -> memref<40xi32, #tpu.memory_space<vmem>>
    %dma_wait3A_60 = arith.constant 0 : i32
    %dma_wait3A_61 = arith.constant 0 : i32
    %dma_wait3A_62 = tpu.memref_slice %arg2[%dma_wait3A_60, %dma_wait3A_61] : memref<10000x128xf32, #tpu.memory_space<hbm>> -> memref<10000x128xf32, #tpu.memory_space<hbm>>
    tpu.wait_indirect_dma semaphore(%arg17 : memref<!tpu.dma_semaphore, #tpu.memory_space<semaphore_mem>>) src(%dma_wait3A_62 : memref<10000x128xf32, #tpu.memory_space<hbm>>) dst(%arg11 : memref<40x128xf32, #tpu.memory_space<vmem>>)
    %dma_start3A_63 = arith.constant 80 : i32
    %dma_start3A_64 = tpu.memref_slice %arg8[%dma_start3A_63] : memref<10000xi32, #tpu.memory_space<vmem>> -> memref<40xi32, #tpu.memory_space<vmem>>
    %dma_start3A_65 = arith.constant 0 : i32
    %dma_start3A_66 = arith.constant 0 : i32
    %dma_start3A_67 = tpu.memref_slice %arg14[%dma_start3A_65, %dma_start3A_66] : memref<10240x128xf32, #tpu.memory_space<vmem_shared>> -> memref<10240x128xf32, #tpu.memory_space<vmem_shared>>
    tpu.enqueue_indirect_dma source(%arg11 : memref<40x128xf32, #tpu.memory_space<vmem>>) target(%dma_start3A_67 : memref<10240x128xf32, #tpu.memory_space<vmem_shared>>) offsets(%dma_start3A_64 : memref<40xi32, #tpu.memory_space<vmem>>) semaphore(%arg22 : memref<!tpu.dma_semaphore, #tpu.memory_space<semaphore_mem>>) {add = true}
    %dma_wait3A_68 = arith.constant 40 : i32
    %dma_wait3A_69 = tpu.memref_slice %arg8[%dma_wait3A_68] : memref<10000xi32, #tpu.memory_space<vmem>> -> memref<40xi32, #tpu.memory_space<vmem>>
    %dma_wait3A_70 = arith.constant 0 : i32
    %dma_wait3A_71 = arith.constant 0 : i32
    %dma_wait3A_72 = tpu.memref_slice %arg14[%dma_wait3A_70, %dma_wait3A_71] : memref<10240x128xf32, #tpu.memory_space<vmem_shared>> -> memref<10240x128xf32, #tpu.memory_space<vmem_shared>>
    tpu.wait_indirect_dma semaphore(%arg21 : memref<!tpu.dma_semaphore, #tpu.memory_space<semaphore_mem>>) src(%arg10 : memref<40x128xf32, #tpu.memory_space<vmem>>) dst(%dma_wait3A_72 : memref<10240x128xf32, #tpu.memory_space<vmem_shared>>)
    %dma_start3A_73 = arith.constant 240 : i32
    %dma_start3A_74 = tpu.memref_slice %arg7[%dma_start3A_73] : memref<10000xi32, #tpu.memory_space<vmem>> -> memref<40xi32, #tpu.memory_space<vmem>>
    %dma_start3A_75 = arith.constant 0 : i32
    %dma_start3A_76 = arith.constant 0 : i32
    %dma_start3A_77 = tpu.memref_slice %arg2[%dma_start3A_75, %dma_start3A_76] : memref<10000x128xf32, #tpu.memory_space<hbm>> -> memref<10000x128xf32, #tpu.memory_space<hbm>>
    tpu.enqueue_indirect_dma source(%dma_start3A_77 : memref<10000x128xf32, #tpu.memory_space<hbm>>) target(%arg10 : memref<40x128xf32, #tpu.memory_space<vmem>>) offsets(%dma_start3A_74 : memref<40xi32, #tpu.memory_space<vmem>>) semaphore(%arg16 : memref<!tpu.dma_semaphore, #tpu.memory_space<semaphore_mem>>)
    %dma_wait3A_78 = arith.constant 120 : i32
    %dma_wait3A_79 = tpu.memref_slice %arg7[%dma_wait3A_78] : memref<10000xi32, #tpu.memory_space<vmem>> -> memref<40xi32, #tpu.memory_space<vmem>>
    %dma_wait3A_80 = arith.constant 0 : i32
    %dma_wait3A_81 = arith.constant 0 : i32
    %dma_wait3A_82 = tpu.memref_slice %arg2[%dma_wait3A_80, %dma_wait3A_81] : memref<10000x128xf32, #tpu.memory_space<hbm>> -> memref<10000x128xf32, #tpu.memory_space<hbm>>
    tpu.wait_indirect_dma semaphore(%arg18 : memref<!tpu.dma_semaphore, #tpu.memory_space<semaphore_mem>>) src(%dma_wait3A_82 : memref<10000x128xf32, #tpu.memory_space<hbm>>) dst(%arg12 : memref<40x128xf32, #tpu.memory_space<vmem>>)
    %dma_start3A_83 = arith.constant 120 : i32
    %dma_start3A_84 = tpu.memref_slice %arg8[%dma_start3A_83] : memref<10000xi32, #tpu.memory_space<vmem>> -> memref<40xi32, #tpu.memory_space<vmem>>
    %dma_start3A_85 = arith.constant 0 : i32
    %dma_start3A_86 = arith.constant 0 : i32
    %dma_start3A_87 = tpu.memref_slice %arg14[%dma_start3A_85, %dma_start3A_86] : memref<10240x128xf32, #tpu.memory_space<vmem_shared>> -> memref<10240x128xf32, #tpu.memory_space<vmem_shared>>
    tpu.enqueue_indirect_dma source(%arg12 : memref<40x128xf32, #tpu.memory_space<vmem>>) target(%dma_start3A_87 : memref<10240x128xf32, #tpu.memory_space<vmem_shared>>) offsets(%dma_start3A_84 : memref<40xi32, #tpu.memory_space<vmem>>) semaphore(%arg23 : memref<!tpu.dma_semaphore, #tpu.memory_space<semaphore_mem>>) {add = true}
    %dma_wait3A_88 = arith.constant 80 : i32
    %dma_wait3A_89 = tpu.memref_slice %arg8[%dma_wait3A_88] : memref<10000xi32, #tpu.memory_space<vmem>> -> memref<40xi32, #tpu.memory_space<vmem>>
    %dma_wait3A_90 = arith.constant 0 : i32
    %dma_wait3A_91 = arith.constant 0 : i32
    %dma_wait3A_92 = tpu.memref_slice %arg14[%dma_wait3A_90, %dma_wait3A_91] : memref<10240x128xf32, #tpu.memory_space<vmem_shared>> -> memref<10240x128xf32, #tpu.memory_space<vmem_shared>>
    tpu.wait_indirect_dma semaphore(%arg22 : memref<!tpu.dma_semaphore, #tpu.memory_space<semaphore_mem>>) src(%arg11 : memref<40x128xf32, #tpu.memory_space<vmem>>) dst(%dma_wait3A_92 : memref<10240x128xf32, #tpu.memory_space<vmem_shared>>)
    %dma_start3A_93 = arith.constant 280 : i32
    %dma_start3A_94 = tpu.memref_slice %arg7[%dma_start3A_93] : memref<10000xi32, #tpu.memory_space<vmem>> -> memref<40xi32, #tpu.memory_space<vmem>>
    %dma_start3A_95 = arith.constant 0 : i32
    %dma_start3A_96 = arith.constant 0 : i32
    %dma_start3A_97 = tpu.memref_slice %arg2[%dma_start3A_95, %dma_start3A_96] : memref<10000x128xf32, #tpu.memory_space<hbm>> -> memref<10000x128xf32, #tpu.memory_space<hbm>>
    tpu.enqueue_indirect_dma source(%dma_start3A_97 : memref<10000x128xf32, #tpu.memory_space<hbm>>) target(%arg11 : memref<40x128xf32, #tpu.memory_space<vmem>>) offsets(%dma_start3A_94 : memref<40xi32, #tpu.memory_space<vmem>>) semaphore(%arg17 : memref<!tpu.dma_semaphore, #tpu.memory_space<semaphore_mem>>)
    %dma_wait3A_98 = arith.constant 160 : i32
    %dma_wait3A_99 = tpu.memref_slice %arg7[%dma_wait3A_98] : memref<10000xi32, #tpu.memory_space<vmem>> -> memref<40xi32, #tpu.memory_space<vmem>>
    %dma_wait3A_100 = arith.constant 0 : i32
    %dma_wait3A_101 = arith.constant 0 : i32
    %dma_wait3A_102 = tpu.memref_slice %arg2[%dma_wait3A_100, %dma_wait3A_101] : memref<10000x128xf32, #tpu.memory_space<hbm>> -> memref<10000x128xf32, #tpu.memory_space<hbm>>
    tpu.wait_indirect_dma semaphore(%arg19 : memref<!tpu.dma_semaphore, #tpu.memory_space<semaphore_mem>>) src(%dma_wait3A_102 : memref<10000x128xf32, #tpu.memory_space<hbm>>) dst(%arg13 : memref<40x128xf32, #tpu.memory_space<vmem>>)
    %dma_start3A_103 = arith.constant 160 : i32
    %dma_start3A_104 = tpu.memref_slice %arg8[%dma_start3A_103] : memref<10000xi32, #tpu.memory_space<vmem>> -> memref<40xi32, #tpu.memory_space<vmem>>
    %dma_start3A_105 = arith.constant 0 : i32
    %dma_start3A_106 = arith.constant 0 : i32
    %dma_start3A_107 = tpu.memref_slice %arg14[%dma_start3A_105, %dma_start3A_106] : memref<10240x128xf32, #tpu.memory_space<vmem_shared>> -> memref<10240x128xf32, #tpu.memory_space<vmem_shared>>
    tpu.enqueue_indirect_dma source(%arg13 : memref<40x128xf32, #tpu.memory_space<vmem>>) target(%dma_start3A_107 : memref<10240x128xf32, #tpu.memory_space<vmem_shared>>) offsets(%dma_start3A_104 : memref<40xi32, #tpu.memory_space<vmem>>) semaphore(%arg24 : memref<!tpu.dma_semaphore, #tpu.memory_space<semaphore_mem>>) {add = true}
    %dma_wait3A_108 = arith.constant 120 : i32
    %dma_wait3A_109 = tpu.memref_slice %arg8[%dma_wait3A_108] : memref<10000xi32, #tpu.memory_space<vmem>> -> memref<40xi32, #tpu.memory_space<vmem>>
    %dma_wait3A_110 = arith.constant 0 : i32
    %dma_wait3A_111 = arith.constant 0 : i32
    %dma_wait3A_112 = tpu.memref_slice %arg14[%dma_wait3A_110, %dma_wait3A_111] : memref<10240x128xf32, #tpu.memory_space<vmem_shared>> -> memref<10240x128xf32, #tpu.memory_space<vmem_shared>>
    tpu.wait_indirect_dma semaphore(%arg23 : memref<!tpu.dma_semaphore, #tpu.memory_space<semaphore_mem>>) src(%arg12 : memref<40x128xf32, #tpu.memory_space<vmem>>) dst(%dma_wait3A_112 : memref<10240x128xf32, #tpu.memory_space<vmem_shared>>)
    %dma_start3A_113 = arith.constant 320 : i32
    %dma_start3A_114 = tpu.memref_slice %arg7[%dma_start3A_113] : memref<10000xi32, #tpu.memory_space<vmem>> -> memref<40xi32, #tpu.memory_space<vmem>>
    %dma_start3A_115 = arith.constant 0 : i32
    %dma_start3A_116 = arith.constant 0 : i32
    %dma_start3A_117 = tpu.memref_slice %arg2[%dma_start3A_115, %dma_start3A_116] : memref<10000x128xf32, #tpu.memory_space<hbm>> -> memref<10000x128xf32, #tpu.memory_space<hbm>>
    tpu.enqueue_indirect_dma source(%dma_start3A_117 : memref<10000x128xf32, #tpu.memory_space<hbm>>) target(%arg12 : memref<40x128xf32, #tpu.memory_space<vmem>>) offsets(%dma_start3A_114 : memref<40xi32, #tpu.memory_space<vmem>>) semaphore(%arg18 : memref<!tpu.dma_semaphore, #tpu.memory_space<semaphore_mem>>)
    %scan3A = arith.constant 0 : i32
    %scan3A_118 = arith.constant 1 : i32
    %scan3A_119 = arith.constant 48 : i32
    %scan3A_120 = arith.addi %scan3A_118, %scan3A_119 : i32
    %scan3A_121 = arith.constant 1 : i32
    scf.for %scan3A_213 = %scan3A_118 to %scan3A_120 step %scan3A_121  : i32 {
      %mul3A_214 = arith.constant 5 : i32
      %mul3A_215 = arith.muli %scan3A_213, %mul3A_214 : i32
      %add3A_216 = arith.constant 0 : i32
      %add3A_217 = arith.addi %mul3A_215, %add3A_216 : i32
      %mul3A_218 = arith.constant 40 : i32
      %mul3A_219 = arith.muli %add3A_217, %mul3A_218 : i32
      %dma_wait3A_220 = tpu.memref_slice %arg7[%mul3A_219] : memref<10000xi32, #tpu.memory_space<vmem>> -> memref<40xi32, #tpu.memory_space<vmem>>
      %dma_wait3A_221 = arith.constant 0 : i32
      %dma_wait3A_222 = arith.constant 0 : i32
      %dma_wait3A_223 = tpu.memref_slice %arg2[%dma_wait3A_221, %dma_wait3A_222] : memref<10000x128xf32, #tpu.memory_space<hbm>> -> memref<10000x128xf32, #tpu.memory_space<hbm>>
      tpu.wait_indirect_dma semaphore(%arg15 : memref<!tpu.dma_semaphore, #tpu.memory_space<semaphore_mem>>) src(%dma_wait3A_223 : memref<10000x128xf32, #tpu.memory_space<hbm>>) dst(%arg9 : memref<40x128xf32, #tpu.memory_space<vmem>>)
      %mul3A_224 = arith.constant 40 : i32
      %mul3A_225 = arith.muli %add3A_217, %mul3A_224 : i32
      %dma_start3A_226 = tpu.memref_slice %arg8[%mul3A_225] : memref<10000xi32, #tpu.memory_space<vmem>> -> memref<40xi32, #tpu.memory_space<vmem>>
      %dma_start3A_227 = arith.constant 0 : i32
      %dma_start3A_228 = arith.constant 0 : i32
      %dma_start3A_229 = tpu.memref_slice %arg14[%dma_start3A_227, %dma_start3A_228] : memref<10240x128xf32, #tpu.memory_space<vmem_shared>> -> memref<10240x128xf32, #tpu.memory_space<vmem_shared>>
      tpu.enqueue_indirect_dma source(%arg9 : memref<40x128xf32, #tpu.memory_space<vmem>>) target(%dma_start3A_229 : memref<10240x128xf32, #tpu.memory_space<vmem_shared>>) offsets(%dma_start3A_226 : memref<40xi32, #tpu.memory_space<vmem>>) semaphore(%arg20 : memref<!tpu.dma_semaphore, #tpu.memory_space<semaphore_mem>>) {add = true}
      %sub3A = arith.constant 1 : i32
      %sub3A_230 = arith.subi %add3A_217, %sub3A : i32
      %mul3A_231 = arith.constant 40 : i32
      %mul3A_232 = arith.muli %sub3A_230, %mul3A_231 : i32
      %dma_wait3A_233 = tpu.memref_slice %arg8[%mul3A_232] : memref<10000xi32, #tpu.memory_space<vmem>> -> memref<40xi32, #tpu.memory_space<vmem>>
      %dma_wait3A_234 = arith.constant 0 : i32
      %dma_wait3A_235 = arith.constant 0 : i32
      %dma_wait3A_236 = tpu.memref_slice %arg14[%dma_wait3A_234, %dma_wait3A_235] : memref<10240x128xf32, #tpu.memory_space<vmem_shared>> -> memref<10240x128xf32, #tpu.memory_space<vmem_shared>>
      tpu.wait_indirect_dma semaphore(%arg24 : memref<!tpu.dma_semaphore, #tpu.memory_space<semaphore_mem>>) src(%arg13 : memref<40x128xf32, #tpu.memory_space<vmem>>) dst(%dma_wait3A_236 : memref<10240x128xf32, #tpu.memory_space<vmem_shared>>)
      %add3A_237 = arith.constant 4 : i32
      %add3A_238 = arith.addi %add3A_217, %add3A_237 : i32
      %mul3A_239 = arith.constant 40 : i32
      %mul3A_240 = arith.muli %add3A_238, %mul3A_239 : i32
      %dma_start3A_241 = tpu.memref_slice %arg7[%mul3A_240] : memref<10000xi32, #tpu.memory_space<vmem>> -> memref<40xi32, #tpu.memory_space<vmem>>
      %dma_start3A_242 = arith.constant 0 : i32
      %dma_start3A_243 = arith.constant 0 : i32
      %dma_start3A_244 = tpu.memref_slice %arg2[%dma_start3A_242, %dma_start3A_243] : memref<10000x128xf32, #tpu.memory_space<hbm>> -> memref<10000x128xf32, #tpu.memory_space<hbm>>
      tpu.enqueue_indirect_dma source(%dma_start3A_244 : memref<10000x128xf32, #tpu.memory_space<hbm>>) target(%arg13 : memref<40x128xf32, #tpu.memory_space<vmem>>) offsets(%dma_start3A_241 : memref<40xi32, #tpu.memory_space<vmem>>) semaphore(%arg19 : memref<!tpu.dma_semaphore, #tpu.memory_space<semaphore_mem>>)
      %mul3A_245 = arith.constant 5 : i32
      %mul3A_246 = arith.muli %scan3A_213, %mul3A_245 : i32
      %add3A_247 = arith.constant 1 : i32
      %add3A_248 = arith.addi %mul3A_246, %add3A_247 : i32
      %mul3A_249 = arith.constant 40 : i32
      %mul3A_250 = arith.muli %add3A_248, %mul3A_249 : i32
      %dma_wait3A_251 = tpu.memref_slice %arg7[%mul3A_250] : memref<10000xi32, #tpu.memory_space<vmem>> -> memref<40xi32, #tpu.memory_space<vmem>>
      %dma_wait3A_252 = arith.constant 0 : i32
      %dma_wait3A_253 = arith.constant 0 : i32
      %dma_wait3A_254 = tpu.memref_slice %arg2[%dma_wait3A_252, %dma_wait3A_253] : memref<10000x128xf32, #tpu.memory_space<hbm>> -> memref<10000x128xf32, #tpu.memory_space<hbm>>
      tpu.wait_indirect_dma semaphore(%arg16 : memref<!tpu.dma_semaphore, #tpu.memory_space<semaphore_mem>>) src(%dma_wait3A_254 : memref<10000x128xf32, #tpu.memory_space<hbm>>) dst(%arg10 : memref<40x128xf32, #tpu.memory_space<vmem>>)
      %mul3A_255 = arith.constant 40 : i32
      %mul3A_256 = arith.muli %add3A_248, %mul3A_255 : i32
      %dma_start3A_257 = tpu.memref_slice %arg8[%mul3A_256] : memref<10000xi32, #tpu.memory_space<vmem>> -> memref<40xi32, #tpu.memory_space<vmem>>
      %dma_start3A_258 = arith.constant 0 : i32
      %dma_start3A_259 = arith.constant 0 : i32
      %dma_start3A_260 = tpu.memref_slice %arg14[%dma_start3A_258, %dma_start3A_259] : memref<10240x128xf32, #tpu.memory_space<vmem_shared>> -> memref<10240x128xf32, #tpu.memory_space<vmem_shared>>
      tpu.enqueue_indirect_dma source(%arg10 : memref<40x128xf32, #tpu.memory_space<vmem>>) target(%dma_start3A_260 : memref<10240x128xf32, #tpu.memory_space<vmem_shared>>) offsets(%dma_start3A_257 : memref<40xi32, #tpu.memory_space<vmem>>) semaphore(%arg21 : memref<!tpu.dma_semaphore, #tpu.memory_space<semaphore_mem>>) {add = true}
      %sub3A_261 = arith.constant 1 : i32
      %sub3A_262 = arith.subi %add3A_248, %sub3A_261 : i32
      %mul3A_263 = arith.constant 40 : i32
      %mul3A_264 = arith.muli %sub3A_262, %mul3A_263 : i32
      %dma_wait3A_265 = tpu.memref_slice %arg8[%mul3A_264] : memref<10000xi32, #tpu.memory_space<vmem>> -> memref<40xi32, #tpu.memory_space<vmem>>
      %dma_wait3A_266 = arith.constant 0 : i32
      %dma_wait3A_267 = arith.constant 0 : i32
      %dma_wait3A_268 = tpu.memref_slice %arg14[%dma_wait3A_266, %dma_wait3A_267] : memref<10240x128xf32, #tpu.memory_space<vmem_shared>> -> memref<10240x128xf32, #tpu.memory_space<vmem_shared>>
      tpu.wait_indirect_dma semaphore(%arg20 : memref<!tpu.dma_semaphore, #tpu.memory_space<semaphore_mem>>) src(%arg9 : memref<40x128xf32, #tpu.memory_space<vmem>>) dst(%dma_wait3A_268 : memref<10240x128xf32, #tpu.memory_space<vmem_shared>>)
      %add3A_269 = arith.constant 4 : i32
      %add3A_270 = arith.addi %add3A_248, %add3A_269 : i32
      %mul3A_271 = arith.constant 40 : i32
      %mul3A_272 = arith.muli %add3A_270, %mul3A_271 : i32
      %dma_start3A_273 = tpu.memref_slice %arg7[%mul3A_272] : memref<10000xi32, #tpu.memory_space<vmem>> -> memref<40xi32, #tpu.memory_space<vmem>>
      %dma_start3A_274 = arith.constant 0 : i32
      %dma_start3A_275 = arith.constant 0 : i32
      %dma_start3A_276 = tpu.memref_slice %arg2[%dma_start3A_274, %dma_start3A_275] : memref<10000x128xf32, #tpu.memory_space<hbm>> -> memref<10000x128xf32, #tpu.memory_space<hbm>>
      tpu.enqueue_indirect_dma source(%dma_start3A_276 : memref<10000x128xf32, #tpu.memory_space<hbm>>) target(%arg9 : memref<40x128xf32, #tpu.memory_space<vmem>>) offsets(%dma_start3A_273 : memref<40xi32, #tpu.memory_space<vmem>>) semaphore(%arg15 : memref<!tpu.dma_semaphore, #tpu.memory_space<semaphore_mem>>)
      %mul3A_277 = arith.constant 5 : i32
      %mul3A_278 = arith.muli %scan3A_213, %mul3A_277 : i32
      %add3A_279 = arith.constant 2 : i32
      %add3A_280 = arith.addi %mul3A_278, %add3A_279 : i32
      %mul3A_281 = arith.constant 40 : i32
      %mul3A_282 = arith.muli %add3A_280, %mul3A_281 : i32
      %dma_wait3A_283 = tpu.memref_slice %arg7[%mul3A_282] : memref<10000xi32, #tpu.memory_space<vmem>> -> memref<40xi32, #tpu.memory_space<vmem>>
      %dma_wait3A_284 = arith.constant 0 : i32
      %dma_wait3A_285 = arith.constant 0 : i32
      %dma_wait3A_286 = tpu.memref_slice %arg2[%dma_wait3A_284, %dma_wait3A_285] : memref<10000x128xf32, #tpu.memory_space<hbm>> -> memref<10000x128xf32, #tpu.memory_space<hbm>>
      tpu.wait_indirect_dma semaphore(%arg17 : memref<!tpu.dma_semaphore, #tpu.memory_space<semaphore_mem>>) src(%dma_wait3A_286 : memref<10000x128xf32, #tpu.memory_space<hbm>>) dst(%arg11 : memref<40x128xf32, #tpu.memory_space<vmem>>)
      %mul3A_287 = arith.constant 40 : i32
      %mul3A_288 = arith.muli %add3A_280, %mul3A_287 : i32
      %dma_start3A_289 = tpu.memref_slice %arg8[%mul3A_288] : memref<10000xi32, #tpu.memory_space<vmem>> -> memref<40xi32, #tpu.memory_space<vmem>>
      %dma_start3A_290 = arith.constant 0 : i32
      %dma_start3A_291 = arith.constant 0 : i32
      %dma_start3A_292 = tpu.memref_slice %arg14[%dma_start3A_290, %dma_start3A_291] : memref<10240x128xf32, #tpu.memory_space<vmem_shared>> -> memref<10240x128xf32, #tpu.memory_space<vmem_shared>>
      tpu.enqueue_indirect_dma source(%arg11 : memref<40x128xf32, #tpu.memory_space<vmem>>) target(%dma_start3A_292 : memref<10240x128xf32, #tpu.memory_space<vmem_shared>>) offsets(%dma_start3A_289 : memref<40xi32, #tpu.memory_space<vmem>>) semaphore(%arg22 : memref<!tpu.dma_semaphore, #tpu.memory_space<semaphore_mem>>) {add = true}
      %sub3A_293 = arith.constant 1 : i32
      %sub3A_294 = arith.subi %add3A_280, %sub3A_293 : i32
      %mul3A_295 = arith.constant 40 : i32
      %mul3A_296 = arith.muli %sub3A_294, %mul3A_295 : i32
      %dma_wait3A_297 = tpu.memref_slice %arg8[%mul3A_296] : memref<10000xi32, #tpu.memory_space<vmem>> -> memref<40xi32, #tpu.memory_space<vmem>>
      %dma_wait3A_298 = arith.constant 0 : i32
      %dma_wait3A_299 = arith.constant 0 : i32
      %dma_wait3A_300 = tpu.memref_slice %arg14[%dma_wait3A_298, %dma_wait3A_299] : memref<10240x128xf32, #tpu.memory_space<vmem_shared>> -> memref<10240x128xf32, #tpu.memory_space<vmem_shared>>
      tpu.wait_indirect_dma semaphore(%arg21 : memref<!tpu.dma_semaphore, #tpu.memory_space<semaphore_mem>>) src(%arg10 : memref<40x128xf32, #tpu.memory_space<vmem>>) dst(%dma_wait3A_300 : memref<10240x128xf32, #tpu.memory_space<vmem_shared>>)
      %add3A_301 = arith.constant 4 : i32
      %add3A_302 = arith.addi %add3A_280, %add3A_301 : i32
      %mul3A_303 = arith.constant 40 : i32
      %mul3A_304 = arith.muli %add3A_302, %mul3A_303 : i32
      %dma_start3A_305 = tpu.memref_slice %arg7[%mul3A_304] : memref<10000xi32, #tpu.memory_space<vmem>> -> memref<40xi32, #tpu.memory_space<vmem>>
      %dma_start3A_306 = arith.constant 0 : i32
      %dma_start3A_307 = arith.constant 0 : i32
      %dma_start3A_308 = tpu.memref_slice %arg2[%dma_start3A_306, %dma_start3A_307] : memref<10000x128xf32, #tpu.memory_space<hbm>> -> memref<10000x128xf32, #tpu.memory_space<hbm>>
      tpu.enqueue_indirect_dma source(%dma_start3A_308 : memref<10000x128xf32, #tpu.memory_space<hbm>>) target(%arg10 : memref<40x128xf32, #tpu.memory_space<vmem>>) offsets(%dma_start3A_305 : memref<40xi32, #tpu.memory_space<vmem>>) semaphore(%arg16 : memref<!tpu.dma_semaphore, #tpu.memory_space<semaphore_mem>>)
      %mul3A_309 = arith.constant 5 : i32
      %mul3A_310 = arith.muli %scan3A_213, %mul3A_309 : i32
      %add3A_311 = arith.constant 3 : i32
      %add3A_312 = arith.addi %mul3A_310, %add3A_311 : i32
      %mul3A_313 = arith.constant 40 : i32
      %mul3A_314 = arith.muli %add3A_312, %mul3A_313 : i32
      %dma_wait3A_315 = tpu.memref_slice %arg7[%mul3A_314] : memref<10000xi32, #tpu.memory_space<vmem>> -> memref<40xi32, #tpu.memory_space<vmem>>
      %dma_wait3A_316 = arith.constant 0 : i32
      %dma_wait3A_317 = arith.constant 0 : i32
      %dma_wait3A_318 = tpu.memref_slice %arg2[%dma_wait3A_316, %dma_wait3A_317] : memref<10000x128xf32, #tpu.memory_space<hbm>> -> memref<10000x128xf32, #tpu.memory_space<hbm>>
      tpu.wait_indirect_dma semaphore(%arg18 : memref<!tpu.dma_semaphore, #tpu.memory_space<semaphore_mem>>) src(%dma_wait3A_318 : memref<10000x128xf32, #tpu.memory_space<hbm>>) dst(%arg12 : memref<40x128xf32, #tpu.memory_space<vmem>>)
      %mul3A_319 = arith.constant 40 : i32
      %mul3A_320 = arith.muli %add3A_312, %mul3A_319 : i32
      %dma_start3A_321 = tpu.memref_slice %arg8[%mul3A_320] : memref<10000xi32, #tpu.memory_space<vmem>> -> memref<40xi32, #tpu.memory_space<vmem>>
      %dma_start3A_322 = arith.constant 0 : i32
      %dma_start3A_323 = arith.constant 0 : i32
      %dma_start3A_324 = tpu.memref_slice %arg14[%dma_start3A_322, %dma_start3A_323] : memref<10240x128xf32, #tpu.memory_space<vmem_shared>> -> memref<10240x128xf32, #tpu.memory_space<vmem_shared>>
      tpu.enqueue_indirect_dma source(%arg12 : memref<40x128xf32, #tpu.memory_space<vmem>>) target(%dma_start3A_324 : memref<10240x128xf32, #tpu.memory_space<vmem_shared>>) offsets(%dma_start3A_321 : memref<40xi32, #tpu.memory_space<vmem>>) semaphore(%arg23 : memref<!tpu.dma_semaphore, #tpu.memory_space<semaphore_mem>>) {add = true}
      %sub3A_325 = arith.constant 1 : i32
      %sub3A_326 = arith.subi %add3A_312, %sub3A_325 : i32
      %mul3A_327 = arith.constant 40 : i32
      %mul3A_328 = arith.muli %sub3A_326, %mul3A_327 : i32
      %dma_wait3A_329 = tpu.memref_slice %arg8[%mul3A_328] : memref<10000xi32, #tpu.memory_space<vmem>> -> memref<40xi32, #tpu.memory_space<vmem>>
      %dma_wait3A_330 = arith.constant 0 : i32
      %dma_wait3A_331 = arith.constant 0 : i32
      %dma_wait3A_332 = tpu.memref_slice %arg14[%dma_wait3A_330, %dma_wait3A_331] : memref<10240x128xf32, #tpu.memory_space<vmem_shared>> -> memref<10240x128xf32, #tpu.memory_space<vmem_shared>>
      tpu.wait_indirect_dma semaphore(%arg22 : memref<!tpu.dma_semaphore, #tpu.memory_space<semaphore_mem>>) src(%arg11 : memref<40x128xf32, #tpu.memory_space<vmem>>) dst(%dma_wait3A_332 : memref<10240x128xf32, #tpu.memory_space<vmem_shared>>)
      %add3A_333 = arith.constant 4 : i32
      %add3A_334 = arith.addi %add3A_312, %add3A_333 : i32
      %mul3A_335 = arith.constant 40 : i32
      %mul3A_336 = arith.muli %add3A_334, %mul3A_335 : i32
      %dma_start3A_337 = tpu.memref_slice %arg7[%mul3A_336] : memref<10000xi32, #tpu.memory_space<vmem>> -> memref<40xi32, #tpu.memory_space<vmem>>
      %dma_start3A_338 = arith.constant 0 : i32
      %dma_start3A_339 = arith.constant 0 : i32
      %dma_start3A_340 = tpu.memref_slice %arg2[%dma_start3A_338, %dma_start3A_339] : memref<10000x128xf32, #tpu.memory_space<hbm>> -> memref<10000x128xf32, #tpu.memory_space<hbm>>
      tpu.enqueue_indirect_dma source(%dma_start3A_340 : memref<10000x128xf32, #tpu.memory_space<hbm>>) target(%arg11 : memref<40x128xf32, #tpu.memory_space<vmem>>) offsets(%dma_start3A_337 : memref<40xi32, #tpu.memory_space<vmem>>) semaphore(%arg17 : memref<!tpu.dma_semaphore, #tpu.memory_space<semaphore_mem>>)
      %mul3A_341 = arith.constant 5 : i32
      %mul3A_342 = arith.muli %scan3A_213, %mul3A_341 : i32
      %add3A_343 = arith.constant 4 : i32
      %add3A_344 = arith.addi %mul3A_342, %add3A_343 : i32
      %mul3A_345 = arith.constant 40 : i32
      %mul3A_346 = arith.muli %add3A_344, %mul3A_345 : i32
      %dma_wait3A_347 = tpu.memref_slice %arg7[%mul3A_346] : memref<10000xi32, #tpu.memory_space<vmem>> -> memref<40xi32, #tpu.memory_space<vmem>>
      %dma_wait3A_348 = arith.constant 0 : i32
      %dma_wait3A_349 = arith.constant 0 : i32
      %dma_wait3A_350 = tpu.memref_slice %arg2[%dma_wait3A_348, %dma_wait3A_349] : memref<10000x128xf32, #tpu.memory_space<hbm>> -> memref<10000x128xf32, #tpu.memory_space<hbm>>
      tpu.wait_indirect_dma semaphore(%arg19 : memref<!tpu.dma_semaphore, #tpu.memory_space<semaphore_mem>>) src(%dma_wait3A_350 : memref<10000x128xf32, #tpu.memory_space<hbm>>) dst(%arg13 : memref<40x128xf32, #tpu.memory_space<vmem>>)
      %mul3A_351 = arith.constant 40 : i32
      %mul3A_352 = arith.muli %add3A_344, %mul3A_351 : i32
      %dma_start3A_353 = tpu.memref_slice %arg8[%mul3A_352] : memref<10000xi32, #tpu.memory_space<vmem>> -> memref<40xi32, #tpu.memory_space<vmem>>
      %dma_start3A_354 = arith.constant 0 : i32
      %dma_start3A_355 = arith.constant 0 : i32
      %dma_start3A_356 = tpu.memref_slice %arg14[%dma_start3A_354, %dma_start3A_355] : memref<10240x128xf32, #tpu.memory_space<vmem_shared>> -> memref<10240x128xf32, #tpu.memory_space<vmem_shared>>
      tpu.enqueue_indirect_dma source(%arg13 : memref<40x128xf32, #tpu.memory_space<vmem>>) target(%dma_start3A_356 : memref<10240x128xf32, #tpu.memory_space<vmem_shared>>) offsets(%dma_start3A_353 : memref<40xi32, #tpu.memory_space<vmem>>) semaphore(%arg24 : memref<!tpu.dma_semaphore, #tpu.memory_space<semaphore_mem>>) {add = true}
      %sub3A_357 = arith.constant 1 : i32
      %sub3A_358 = arith.subi %add3A_344, %sub3A_357 : i32
      %mul3A_359 = arith.constant 40 : i32
      %mul3A_360 = arith.muli %sub3A_358, %mul3A_359 : i32
      %dma_wait3A_361 = tpu.memref_slice %arg8[%mul3A_360] : memref<10000xi32, #tpu.memory_space<vmem>> -> memref<40xi32, #tpu.memory_space<vmem>>
      %dma_wait3A_362 = arith.constant 0 : i32
      %dma_wait3A_363 = arith.constant 0 : i32
      %dma_wait3A_364 = tpu.memref_slice %arg14[%dma_wait3A_362, %dma_wait3A_363] : memref<10240x128xf32, #tpu.memory_space<vmem_shared>> -> memref<10240x128xf32, #tpu.memory_space<vmem_shared>>
      tpu.wait_indirect_dma semaphore(%arg23 : memref<!tpu.dma_semaphore, #tpu.memory_space<semaphore_mem>>) src(%arg12 : memref<40x128xf32, #tpu.memory_space<vmem>>) dst(%dma_wait3A_364 : memref<10240x128xf32, #tpu.memory_space<vmem_shared>>)
      %add3A_365 = arith.constant 4 : i32
      %add3A_366 = arith.addi %add3A_344, %add3A_365 : i32
      %mul3A_367 = arith.constant 40 : i32
      %mul3A_368 = arith.muli %add3A_366, %mul3A_367 : i32
      %dma_start3A_369 = tpu.memref_slice %arg7[%mul3A_368] : memref<10000xi32, #tpu.memory_space<vmem>> -> memref<40xi32, #tpu.memory_space<vmem>>
      %dma_start3A_370 = arith.constant 0 : i32
      %dma_start3A_371 = arith.constant 0 : i32
      %dma_start3A_372 = tpu.memref_slice %arg2[%dma_start3A_370, %dma_start3A_371] : memref<10000x128xf32, #tpu.memory_space<hbm>> -> memref<10000x128xf32, #tpu.memory_space<hbm>>
      tpu.enqueue_indirect_dma source(%dma_start3A_372 : memref<10000x128xf32, #tpu.memory_space<hbm>>) target(%arg12 : memref<40x128xf32, #tpu.memory_space<vmem>>) offsets(%dma_start3A_369 : memref<40xi32, #tpu.memory_space<vmem>>) semaphore(%arg18 : memref<!tpu.dma_semaphore, #tpu.memory_space<semaphore_mem>>)
    }
    %scan3A_122 = arith.constant 48 : i32
    %dma_wait3A_123 = arith.constant 9800 : i32
    %dma_wait3A_124 = tpu.memref_slice %arg7[%dma_wait3A_123] : memref<10000xi32, #tpu.memory_space<vmem>> -> memref<40xi32, #tpu.memory_space<vmem>>
    %dma_wait3A_125 = arith.constant 0 : i32
    %dma_wait3A_126 = arith.constant 0 : i32
    %dma_wait3A_127 = tpu.memref_slice %arg2[%dma_wait3A_125, %dma_wait3A_126] : memref<10000x128xf32, #tpu.memory_space<hbm>> -> memref<10000x128xf32, #tpu.memory_space<hbm>>
    tpu.wait_indirect_dma semaphore(%arg15 : memref<!tpu.dma_semaphore, #tpu.memory_space<semaphore_mem>>) src(%dma_wait3A_127 : memref<10000x128xf32, #tpu.memory_space<hbm>>) dst(%arg9 : memref<40x128xf32, #tpu.memory_space<vmem>>)
    %dma_start3A_128 = arith.constant 9800 : i32
    %dma_start3A_129 = tpu.memref_slice %arg8[%dma_start3A_128] : memref<10000xi32, #tpu.memory_space<vmem>> -> memref<40xi32, #tpu.memory_space<vmem>>
    %dma_start3A_130 = arith.constant 0 : i32
    %dma_start3A_131 = arith.constant 0 : i32
    %dma_start3A_132 = tpu.memref_slice %arg14[%dma_start3A_130, %dma_start3A_131] : memref<10240x128xf32, #tpu.memory_space<vmem_shared>> -> memref<10240x128xf32, #tpu.memory_space<vmem_shared>>
    tpu.enqueue_indirect_dma source(%arg9 : memref<40x128xf32, #tpu.memory_space<vmem>>) target(%dma_start3A_132 : memref<10240x128xf32, #tpu.memory_space<vmem_shared>>) offsets(%dma_start3A_129 : memref<40xi32, #tpu.memory_space<vmem>>) semaphore(%arg20 : memref<!tpu.dma_semaphore, #tpu.memory_space<semaphore_mem>>) {add = true}
    %dma_wait3A_133 = arith.constant 9760 : i32
    %dma_wait3A_134 = tpu.memref_slice %arg8[%dma_wait3A_133] : memref<10000xi32, #tpu.memory_space<vmem>> -> memref<40xi32, #tpu.memory_space<vmem>>
    %dma_wait3A_135 = arith.constant 0 : i32
    %dma_wait3A_136 = arith.constant 0 : i32
    %dma_wait3A_137 = tpu.memref_slice %arg14[%dma_wait3A_135, %dma_wait3A_136] : memref<10240x128xf32, #tpu.memory_space<vmem_shared>> -> memref<10240x128xf32, #tpu.memory_space<vmem_shared>>
    tpu.wait_indirect_dma semaphore(%arg24 : memref<!tpu.dma_semaphore, #tpu.memory_space<semaphore_mem>>) src(%arg13 : memref<40x128xf32, #tpu.memory_space<vmem>>) dst(%dma_wait3A_137 : memref<10240x128xf32, #tpu.memory_space<vmem_shared>>)
    %dma_start3A_138 = arith.constant 9960 : i32
    %dma_start3A_139 = tpu.memref_slice %arg7[%dma_start3A_138] : memref<10000xi32, #tpu.memory_space<vmem>> -> memref<40xi32, #tpu.memory_space<vmem>>
    %dma_start3A_140 = arith.constant 0 : i32
    %dma_start3A_141 = arith.constant 0 : i32
    %dma_start3A_142 = tpu.memref_slice %arg2[%dma_start3A_140, %dma_start3A_141] : memref<10000x128xf32, #tpu.memory_space<hbm>> -> memref<10000x128xf32, #tpu.memory_space<hbm>>
    tpu.enqueue_indirect_dma source(%dma_start3A_142 : memref<10000x128xf32, #tpu.memory_space<hbm>>) target(%arg13 : memref<40x128xf32, #tpu.memory_space<vmem>>) offsets(%dma_start3A_139 : memref<40xi32, #tpu.memory_space<vmem>>) semaphore(%arg19 : memref<!tpu.dma_semaphore, #tpu.memory_space<semaphore_mem>>)
    %dma_wait3A_143 = arith.constant 9840 : i32
    %dma_wait3A_144 = tpu.memref_slice %arg7[%dma_wait3A_143] : memref<10000xi32, #tpu.memory_space<vmem>> -> memref<40xi32, #tpu.memory_space<vmem>>
    %dma_wait3A_145 = arith.constant 0 : i32
    %dma_wait3A_146 = arith.constant 0 : i32
    %dma_wait3A_147 = tpu.memref_slice %arg2[%dma_wait3A_145, %dma_wait3A_146] : memref<10000x128xf32, #tpu.memory_space<hbm>> -> memref<10000x128xf32, #tpu.memory_space<hbm>>
    tpu.wait_indirect_dma semaphore(%arg16 : memref<!tpu.dma_semaphore, #tpu.memory_space<semaphore_mem>>) src(%dma_wait3A_147 : memref<10000x128xf32, #tpu.memory_space<hbm>>) dst(%arg10 : memref<40x128xf32, #tpu.memory_space<vmem>>)
    %dma_start3A_148 = arith.constant 9840 : i32
    %dma_start3A_149 = tpu.memref_slice %arg8[%dma_start3A_148] : memref<10000xi32, #tpu.memory_space<vmem>> -> memref<40xi32, #tpu.memory_space<vmem>>
    %dma_start3A_150 = arith.constant 0 : i32
    %dma_start3A_151 = arith.constant 0 : i32
    %dma_start3A_152 = tpu.memref_slice %arg14[%dma_start3A_150, %dma_start3A_151] : memref<10240x128xf32, #tpu.memory_space<vmem_shared>> -> memref<10240x128xf32, #tpu.memory_space<vmem_shared>>
    tpu.enqueue_indirect_dma source(%arg10 : memref<40x128xf32, #tpu.memory_space<vmem>>) target(%dma_start3A_152 : memref<10240x128xf32, #tpu.memory_space<vmem_shared>>) offsets(%dma_start3A_149 : memref<40xi32, #tpu.memory_space<vmem>>) semaphore(%arg21 : memref<!tpu.dma_semaphore, #tpu.memory_space<semaphore_mem>>) {add = true}
    %dma_wait3A_153 = arith.constant 9800 : i32
    %dma_wait3A_154 = tpu.memref_slice %arg8[%dma_wait3A_153] : memref<10000xi32, #tpu.memory_space<vmem>> -> memref<40xi32, #tpu.memory_space<vmem>>
    %dma_wait3A_155 = arith.constant 0 : i32
    %dma_wait3A_156 = arith.constant 0 : i32
    %dma_wait3A_157 = tpu.memref_slice %arg14[%dma_wait3A_155, %dma_wait3A_156] : memref<10240x128xf32, #tpu.memory_space<vmem_shared>> -> memref<10240x128xf32, #tpu.memory_space<vmem_shared>>
    tpu.wait_indirect_dma semaphore(%arg20 : memref<!tpu.dma_semaphore, #tpu.memory_space<semaphore_mem>>) src(%arg9 : memref<40x128xf32, #tpu.memory_space<vmem>>) dst(%dma_wait3A_157 : memref<10240x128xf32, #tpu.memory_space<vmem_shared>>)
    %dma_wait3A_158 = arith.constant 9880 : i32
    %dma_wait3A_159 = tpu.memref_slice %arg7[%dma_wait3A_158] : memref<10000xi32, #tpu.memory_space<vmem>> -> memref<40xi32, #tpu.memory_space<vmem>>
    %dma_wait3A_160 = arith.constant 0 : i32
    %dma_wait3A_161 = arith.constant 0 : i32
    %dma_wait3A_162 = tpu.memref_slice %arg2[%dma_wait3A_160, %dma_wait3A_161] : memref<10000x128xf32, #tpu.memory_space<hbm>> -> memref<10000x128xf32, #tpu.memory_space<hbm>>
    tpu.wait_indirect_dma semaphore(%arg17 : memref<!tpu.dma_semaphore, #tpu.memory_space<semaphore_mem>>) src(%dma_wait3A_162 : memref<10000x128xf32, #tpu.memory_space<hbm>>) dst(%arg11 : memref<40x128xf32, #tpu.memory_space<vmem>>)
    %dma_start3A_163 = arith.constant 9880 : i32
    %dma_start3A_164 = tpu.memref_slice %arg8[%dma_start3A_163] : memref<10000xi32, #tpu.memory_space<vmem>> -> memref<40xi32, #tpu.memory_space<vmem>>
    %dma_start3A_165 = arith.constant 0 : i32
    %dma_start3A_166 = arith.constant 0 : i32
    %dma_start3A_167 = tpu.memref_slice %arg14[%dma_start3A_165, %dma_start3A_166] : memref<10240x128xf32, #tpu.memory_space<vmem_shared>> -> memref<10240x128xf32, #tpu.memory_space<vmem_shared>>
    tpu.enqueue_indirect_dma source(%arg11 : memref<40x128xf32, #tpu.memory_space<vmem>>) target(%dma_start3A_167 : memref<10240x128xf32, #tpu.memory_space<vmem_shared>>) offsets(%dma_start3A_164 : memref<40xi32, #tpu.memory_space<vmem>>) semaphore(%arg22 : memref<!tpu.dma_semaphore, #tpu.memory_space<semaphore_mem>>) {add = true}
    %dma_wait3A_168 = arith.constant 9840 : i32
    %dma_wait3A_169 = tpu.memref_slice %arg8[%dma_wait3A_168] : memref<10000xi32, #tpu.memory_space<vmem>> -> memref<40xi32, #tpu.memory_space<vmem>>
    %dma_wait3A_170 = arith.constant 0 : i32
    %dma_wait3A_171 = arith.constant 0 : i32
    %dma_wait3A_172 = tpu.memref_slice %arg14[%dma_wait3A_170, %dma_wait3A_171] : memref<10240x128xf32, #tpu.memory_space<vmem_shared>> -> memref<10240x128xf32, #tpu.memory_space<vmem_shared>>
    tpu.wait_indirect_dma semaphore(%arg21 : memref<!tpu.dma_semaphore, #tpu.memory_space<semaphore_mem>>) src(%arg10 : memref<40x128xf32, #tpu.memory_space<vmem>>) dst(%dma_wait3A_172 : memref<10240x128xf32, #tpu.memory_space<vmem_shared>>)
    %dma_wait3A_173 = arith.constant 9920 : i32
    %dma_wait3A_174 = tpu.memref_slice %arg7[%dma_wait3A_173] : memref<10000xi32, #tpu.memory_space<vmem>> -> memref<40xi32, #tpu.memory_space<vmem>>
    %dma_wait3A_175 = arith.constant 0 : i32
    %dma_wait3A_176 = arith.constant 0 : i32
    %dma_wait3A_177 = tpu.memref_slice %arg2[%dma_wait3A_175, %dma_wait3A_176] : memref<10000x128xf32, #tpu.memory_space<hbm>> -> memref<10000x128xf32, #tpu.memory_space<hbm>>
    tpu.wait_indirect_dma semaphore(%arg18 : memref<!tpu.dma_semaphore, #tpu.memory_space<semaphore_mem>>) src(%dma_wait3A_177 : memref<10000x128xf32, #tpu.memory_space<hbm>>) dst(%arg12 : memref<40x128xf32, #tpu.memory_space<vmem>>)
    %dma_start3A_178 = arith.constant 9920 : i32
    %dma_start3A_179 = tpu.memref_slice %arg8[%dma_start3A_178] : memref<10000xi32, #tpu.memory_space<vmem>> -> memref<40xi32, #tpu.memory_space<vmem>>
    %dma_start3A_180 = arith.constant 0 : i32
    %dma_start3A_181 = arith.constant 0 : i32
    %dma_start3A_182 = tpu.memref_slice %arg14[%dma_start3A_180, %dma_start3A_181] : memref<10240x128xf32, #tpu.memory_space<vmem_shared>> -> memref<10240x128xf32, #tpu.memory_space<vmem_shared>>
    tpu.enqueue_indirect_dma source(%arg12 : memref<40x128xf32, #tpu.memory_space<vmem>>) target(%dma_start3A_182 : memref<10240x128xf32, #tpu.memory_space<vmem_shared>>) offsets(%dma_start3A_179 : memref<40xi32, #tpu.memory_space<vmem>>) semaphore(%arg23 : memref<!tpu.dma_semaphore, #tpu.memory_space<semaphore_mem>>) {add = true}
    %dma_wait3A_183 = arith.constant 9880 : i32
    %dma_wait3A_184 = tpu.memref_slice %arg8[%dma_wait3A_183] : memref<10000xi32, #tpu.memory_space<vmem>> -> memref<40xi32, #tpu.memory_space<vmem>>
    %dma_wait3A_185 = arith.constant 0 : i32
    %dma_wait3A_186 = arith.constant 0 : i32
    %dma_wait3A_187 = tpu.memref_slice %arg14[%dma_wait3A_185, %dma_wait3A_186] : memref<10240x128xf32, #tpu.memory_space<vmem_shared>> -> memref<10240x128xf32, #tpu.memory_space<vmem_shared>>
    tpu.wait_indirect_dma semaphore(%arg22 : memref<!tpu.dma_semaphore, #tpu.memory_space<semaphore_mem>>) src(%arg11 : memref<40x128xf32, #tpu.memory_space<vmem>>) dst(%dma_wait3A_187 : memref<10240x128xf32, #tpu.memory_space<vmem_shared>>)
    %dma_wait3A_188 = arith.constant 9960 : i32
    %dma_wait3A_189 = tpu.memref_slice %arg7[%dma_wait3A_188] : memref<10000xi32, #tpu.memory_space<vmem>> -> memref<40xi32, #tpu.memory_space<vmem>>
    %dma_wait3A_190 = arith.constant 0 : i32
    %dma_wait3A_191 = arith.constant 0 : i32
    %dma_wait3A_192 = tpu.memref_slice %arg2[%dma_wait3A_190, %dma_wait3A_191] : memref<10000x128xf32, #tpu.memory_space<hbm>> -> memref<10000x128xf32, #tpu.memory_space<hbm>>
    tpu.wait_indirect_dma semaphore(%arg19 : memref<!tpu.dma_semaphore, #tpu.memory_space<semaphore_mem>>) src(%dma_wait3A_192 : memref<10000x128xf32, #tpu.memory_space<hbm>>) dst(%arg13 : memref<40x128xf32, #tpu.memory_space<vmem>>)
    %dma_start3A_193 = arith.constant 9960 : i32
    %dma_start3A_194 = tpu.memref_slice %arg8[%dma_start3A_193] : memref<10000xi32, #tpu.memory_space<vmem>> -> memref<40xi32, #tpu.memory_space<vmem>>
    %dma_start3A_195 = arith.constant 0 : i32
    %dma_start3A_196 = arith.constant 0 : i32
    %dma_start3A_197 = tpu.memref_slice %arg14[%dma_start3A_195, %dma_start3A_196] : memref<10240x128xf32, #tpu.memory_space<vmem_shared>> -> memref<10240x128xf32, #tpu.memory_space<vmem_shared>>
    tpu.enqueue_indirect_dma source(%arg13 : memref<40x128xf32, #tpu.memory_space<vmem>>) target(%dma_start3A_197 : memref<10240x128xf32, #tpu.memory_space<vmem_shared>>) offsets(%dma_start3A_194 : memref<40xi32, #tpu.memory_space<vmem>>) semaphore(%arg24 : memref<!tpu.dma_semaphore, #tpu.memory_space<semaphore_mem>>) {add = true}
    %dma_wait3A_198 = arith.constant 9920 : i32
    %dma_wait3A_199 = tpu.memref_slice %arg8[%dma_wait3A_198] : memref<10000xi32, #tpu.memory_space<vmem>> -> memref<40xi32, #tpu.memory_space<vmem>>
    %dma_wait3A_200 = arith.constant 0 : i32
    %dma_wait3A_201 = arith.constant 0 : i32
    %dma_wait3A_202 = tpu.memref_slice %arg14[%dma_wait3A_200, %dma_wait3A_201] : memref<10240x128xf32, #tpu.memory_space<vmem_shared>> -> memref<10240x128xf32, #tpu.memory_space<vmem_shared>>
    tpu.wait_indirect_dma semaphore(%arg23 : memref<!tpu.dma_semaphore, #tpu.memory_space<semaphore_mem>>) src(%arg12 : memref<40x128xf32, #tpu.memory_space<vmem>>) dst(%dma_wait3A_202 : memref<10240x128xf32, #tpu.memory_space<vmem_shared>>)
    %dma_wait3A_203 = arith.constant 9960 : i32
    %dma_wait3A_204 = tpu.memref_slice %arg8[%dma_wait3A_203] : memref<10000xi32, #tpu.memory_space<vmem>> -> memref<40xi32, #tpu.memory_space<vmem>>
    %dma_wait3A_205 = arith.constant 0 : i32
    %dma_wait3A_206 = arith.constant 0 : i32
    %dma_wait3A_207 = tpu.memref_slice %arg14[%dma_wait3A_205, %dma_wait3A_206] : memref<10240x128xf32, #tpu.memory_space<vmem_shared>> -> memref<10240x128xf32, #tpu.memory_space<vmem_shared>>
    tpu.wait_indirect_dma semaphore(%arg24 : memref<!tpu.dma_semaphore, #tpu.memory_space<semaphore_mem>>) src(%arg13 : memref<40x128xf32, #tpu.memory_space<vmem>>) dst(%dma_wait3A_207 : memref<10240x128xf32, #tpu.memory_space<vmem_shared>>)
    %barrier3A_208 = arith.constant 0 : index
    tpu.barrier barrier_id(%barrier3A_208)
    %mul3A_209 = arith.constant 640 : i32
    %mul3A_210 = arith.muli %arg1, %mul3A_209 : i32
    %mul3A_211 = arith.constant 640 : i32
    %mul3A_212 = arith.muli %arg1, %mul3A_211 : i32
    "tpu.region"() ({
      %run_scoped3A = tpu.sem_alloc : memref<!tpu.dma_semaphore, #tpu.memory_space<semaphore_mem>>
      %dma_start3A_213 = arith.constant 0 : i32
      %dma_start3A_214 = tpu.memref_slice %arg6[%arg0, %mul3A_212, %dma_start3A_213] : memref<2x10240x128xf32, #tpu.memory_space<hbm>> -> memref<1x640x128xf32, #tpu.memory_space<hbm>>
      %dma_start3A_215 = tpu.memref_squeeze %dma_start3A_214 : memref<1x640x128xf32, #tpu.memory_space<hbm>> -> memref<640x128xf32, #tpu.memory_space<hbm>>
      %dma_start3A_216 = arith.constant 0 : i32
      %dma_start3A_217 = tpu.memref_slice %arg14[%mul3A_210, %dma_start3A_216] : memref<10240x128xf32, #tpu.memory_space<vmem_shared>> -> memref<640x128xf32, #tpu.memory_space<vmem_shared>>
      tpu.enqueue_dma source(%dma_start3A_217 : memref<640x128xf32, #tpu.memory_space<vmem_shared>>) target(%dma_start3A_215 : memref<640x128xf32, #tpu.memory_space<hbm>>) target_semaphore(%run_scoped3A : memref<!tpu.dma_semaphore, #tpu.memory_space<semaphore_mem>>)
      %dma_wait3A_218 = arith.constant 0 : i32
      %dma_wait3A_219 = tpu.memref_slice %arg6[%arg0, %mul3A_212, %dma_wait3A_218] : memref<2x10240x128xf32, #tpu.memory_space<hbm>> -> memref<1x640x128xf32, #tpu.memory_space<hbm>>
      %dma_wait3A_220 = tpu.memref_squeeze %dma_wait3A_219 : memref<1x640x128xf32, #tpu.memory_space<hbm>> -> memref<640x128xf32, #tpu.memory_space<hbm>>
      %dma_wait3A_221 = arith.constant 0 : i32
      %dma_wait3A_222 = tpu.memref_slice %arg14[%mul3A_210, %dma_wait3A_221] : memref<10240x128xf32, #tpu.memory_space<vmem_shared>> -> memref<640x128xf32, #tpu.memory_space<vmem_shared>>
      tpu.wait_dma2 semaphore(%run_scoped3A : memref<!tpu.dma_semaphore, #tpu.memory_space<semaphore_mem>>) src(%dma_wait3A_222 : memref<640x128xf32, #tpu.memory_space<vmem_shared>>) dst(%dma_wait3A_220 : memref<640x128xf32, #tpu.memory_space<hbm>>)
      tpu.yield
    }) : () -> ()
    return
  }
}

module attributes {stable_mosaic.version = 14 : i64} {
  func.func @_matmul_norm_kernel(%arg0: i32, %arg1: memref<1000x128xf32, #tpu.memory_space<vmem>>, %arg2: memref<128x128xf32, #tpu.memory_space<vmem>>, %arg3: memref<1000x1xf32, #tpu.memory_space<vmem>>, %arg4: memref<1000x128xf32, #tpu.memory_space<vmem>>, %arg5: memref<1024x128xf32, #tpu.memory_space<vmem>>) attributes {dimension_semantics = [#tpu.dimension_semantics<arbitrary>], iteration_bounds = array<i64: 10>, scalar_prefetch = 0 : i64, scratch_operands = 0 : i64, tpu.core_type = #tpu.core_type<tc>, window_params = [{transform_indices = @transform_0, window_bounds = array<i64: 1000, 128>}, {pipeline_mode = #tpu.pipeline_mode<synchronous>, transform_indices = @transform_1, window_bounds = array<i64: 128, 128>}, {transform_indices = @transform_2, window_bounds = array<i64: 1000, 1>}, {transform_indices = @transform_3, window_bounds = array<i64: 1000, 128>}, {transform_indices = @transform_4, window_bounds = array<i64: 1024, 128>}]} {
    %get3A = arith.constant 0 : index
    %get3A_0 = arith.constant 0 : index
    %get3A_1 = vector.load %arg1[%get3A, %get3A_0] : memref<1000x128xf32, #tpu.memory_space<vmem>>, vector<1000x128xf32>
    %get3A_2 = arith.constant 0 : index
    %get3A_3 = arith.constant 0 : index
    %get3A_4 = vector.load %arg2[%get3A_2, %get3A_3] : memref<128x128xf32, #tpu.memory_space<vmem>>, vector<128x128xf32>
    %dot_general3A = arith.constant dense<0.000000e+00> : vector<1000x128xf32>
    %dot_general3A_5 = tpu.matmul %get3A_1, %get3A_4, %dot_general3A {dimension_numbers = #tpu.dot_dimension_numbers<[1], [0], [0], [1], [0, 0, 1, 1], [], []>, transpose_lhs_hint = false} : vector<1000x128xf32>, vector<128x128xf32>, vector<1000x128xf32> -> vector<1000x128xf32>
    %get3A_6 = arith.constant 0 : index
    %get3A_7 = arith.constant 0 : index
    %get3A_8 = vector.load %arg3[%get3A_6, %get3A_7] : memref<1000x1xf32, #tpu.memory_space<vmem>>, vector<1000x1xf32>
    %mul3A = vector.broadcast %get3A_8 : vector<1000x1xf32> to vector<1000x128xf32>
    %mul3A_9 = arith.mulf %dot_general3A_5, %mul3A : vector<1000x128xf32>
    %swap3A = arith.constant 0 : index
    %swap3A_10 = arith.constant 0 : index
    %swap3A_11 = vector.load %arg4[%swap3A, %swap3A_10] : memref<1000x128xf32, #tpu.memory_space<vmem>>, vector<1000x128xf32>
    tpu.vector_store %arg4[%swap3A, %swap3A_10], %mul3A_9 {strides = array<i32>} : memref<1000x128xf32, #tpu.memory_space<vmem>>, vector<1000x128xf32>,
    %broadcast_in_dim3A = arith.constant 0.000000e+00 : f32
    %broadcast_in_dim3A_12 = vector.broadcast %broadcast_in_dim3A : f32 to vector<1024x128xf32>
    %swap3A_13 = arith.constant 0 : index
    %swap3A_14 = arith.constant 0 : index
    %swap3A_15 = vector.load %arg5[%swap3A_13, %swap3A_14] : memref<1024x128xf32, #tpu.memory_space<vmem>>, vector<1024x128xf32>
    tpu.vector_store %arg5[%swap3A_13, %swap3A_14], %broadcast_in_dim3A_12 {strides = array<i32>} : memref<1024x128xf32, #tpu.memory_space<vmem>>, vector<1024x128xf32>,
    return
  }
  func.func @transform_0(%arg0: i32) -> (i32, i32) {
    %c0_i32 = arith.constant 0 : i32
    %c0_i32_0 = arith.constant 0 : i32
    return %arg0, %c0_i32 : i32, i32
  }
  func.func @transform_1(%arg0: i32) -> (i32, i32) {
    %c0_i32 = arith.constant 0 : i32
    %c0_i32_0 = arith.constant 0 : i32
    %c0_i32_1 = arith.constant 0 : i32
    return %c0_i32, %c0_i32_0 : i32, i32
  }
  func.func @transform_2(%arg0: i32) -> (i32, i32) {
    %c0_i32 = arith.constant 0 : i32
    %c0_i32_0 = arith.constant 0 : i32
    return %arg0, %c0_i32 : i32, i32
  }
  func.func @transform_3(%arg0: i32) -> (i32, i32) {
    %c0_i32 = arith.constant 0 : i32
    %c0_i32_0 = arith.constant 0 : i32
    return %arg0, %c0_i32 : i32, i32
  }
  func.func @transform_4(%arg0: i32) -> (i32, i32) {
    %c0_i32 = arith.constant 0 : i32
    %c0_i32_0 = arith.constant 0 : i32
    return %arg0, %c0_i32 : i32, i32
  }
}

module attributes {stable_mosaic.version = 14 : i64} {
  func.func @_finish_kernel(%arg0: i32, %arg1: memref<2x1000x128xf32, #tpu.memory_space<vmem>>, %arg2: memref<1x128xf32, #tpu.memory_space<vmem>>, %arg3: memref<1000x128xf32, #tpu.memory_space<vmem>>) attributes {dimension_semantics = [#tpu.dimension_semantics<arbitrary>], iteration_bounds = array<i64: 10>, scalar_prefetch = 0 : i64, scratch_operands = 0 : i64, tpu.core_type = #tpu.core_type<tc>, window_params = [{transform_indices = @transform_0, window_bounds = array<i64: 2, 1000, 128>}, {pipeline_mode = #tpu.pipeline_mode<synchronous>, transform_indices = @transform_1, window_bounds = array<i64: 1, 128>}, {transform_indices = @transform_2, window_bounds = array<i64: 1000, 128>}]} {
    %get3A = arith.constant 0 : index
    %get3A_0 = arith.constant 0 : index
    %get3A_1 = arith.constant 0 : index
    %get3A_2 = vector.load %arg1[%get3A, %get3A_0, %get3A_1] : memref<2x1000x128xf32, #tpu.memory_space<vmem>>, vector<1x1000x128xf32>
    %get3A_3 = vector.shape_cast %get3A_2 : vector<1x1000x128xf32> to vector<1000x128xf32>
    %get3A_4 = arith.constant 1 : index
    %get3A_5 = arith.constant 0 : index
    %get3A_6 = arith.constant 0 : index
    %get3A_7 = vector.load %arg1[%get3A_4, %get3A_5, %get3A_6] : memref<2x1000x128xf32, #tpu.memory_space<vmem>>, vector<1x1000x128xf32>
    %get3A_8 = vector.shape_cast %get3A_7 : vector<1x1000x128xf32> to vector<1000x128xf32>
    %add3A = arith.addf %get3A_3, %get3A_8 : vector<1000x128xf32>
    %get3A_9 = arith.constant 0 : index
    %get3A_10 = arith.constant 0 : index
    %get3A_11 = vector.load %arg2[%get3A_9, %get3A_10] : memref<1x128xf32, #tpu.memory_space<vmem>>, vector<1x128xf32>
    %add3A_12 = vector.broadcast %get3A_11 : vector<1x128xf32> to vector<1000x128xf32>
    %add3A_13 = arith.addf %add3A, %add3A_12 : vector<1000x128xf32>
    %max3A = arith.constant 0.000000e+00 : f32
    %max3A_14 = vector.broadcast %max3A : f32 to vector<1000x128xf32>
    %max3A_15 = arith.maximumf %add3A_13, %max3A_14 : vector<1000x128xf32>
    %swap3A = arith.constant 0 : index
    %swap3A_16 = arith.constant 0 : index
    %swap3A_17 = vector.load %arg3[%swap3A, %swap3A_16] : memref<1000x128xf32, #tpu.memory_space<vmem>>, vector<1000x128xf32>
    tpu.vector_store %arg3[%swap3A, %swap3A_16], %max3A_15 {strides = array<i32>} : memref<1000x128xf32, #tpu.memory_space<vmem>>, vector<1000x128xf32>,
    return
  }
  func.func @transform_0(%arg0: i32) -> (i32, i32, i32) {
    %c0_i32 = arith.constant 0 : i32
    %c0_i32_0 = arith.constant 0 : i32
    %c0_i32_1 = arith.constant 0 : i32
    return %c0_i32, %arg0, %c0_i32_0 : i32, i32, i32
  }
  func.func @transform_1(%arg0: i32) -> (i32, i32) {
    %c0_i32 = arith.constant 0 : i32
    %c0_i32_0 = arith.constant 0 : i32
    %c0_i32_1 = arith.constant 0 : i32
    return %c0_i32, %c0_i32_0 : i32, i32
  }
  func.func @transform_2(%arg0: i32) -> (i32, i32) {
    %c0_i32 = arith.constant 0 : i32
    %c0_i32_0 = arith.constant 0 : i32
    return %arg0, %c0_i32 : i32, i32
  }
}

</mosaic_0001>

<sc_bundles>
// kernel: kernel.5.cloned.1.call-start
scs
__scs_entry_jumppad:
0x0: {  	(pc) =	sbr.rel $0x88, $3  }
0x1: {  	(tag) =	ssettag $0x0;
	lr =	simm.s32 $0x1  }
0x2: {  	[smem:$0x3F9C] =	sst lr;
	_ =	strace $0xD0000000  }
0x3: {  	_ = 	snop  }
0x4: {  	_ = 	snop  }
0x5: {  	_ = 	snop  }
0x6: {  	_ = 	snop  }
0x7: {  	_ = 	snop  }
__scs_overlays_trampoline_lowered:
0x8: {  	[smem:$0x3FAB] =	sst s0  }
0x9: {  	[smem:$0x3FAC] =	sst s1  }
0xa: {  	[smem:$0x3FAD] =	sst s2  }
0xb: {  	[smem:$0x3FAE] =	sst s3  }
0xc: {  	[smem:$0x3FAF] =	sst s4  }
0xd: {  	[smem:$0x3FB0] =	sst s5  }
0xe: {  	[smem:$0x3FB1] =	sst s6  }
0xf: {  	[smem:$0x3FB2] =	sst s7  }
0x10: {  	[smem:$0x3FB3] =	sst s8  }
0x11: {  	[smem:$0x3FB4] =	sst s9;
	s0 =	simm.s32 @!p0 $0x0  }
0x12: {  	s1 =	sld [smem:$0x3F9A];
	s0 =	simm.s32 @p0 $0x1  }
0x13: {  	[smem:$0x3FB5] =	sst s0;
	s0 =	simm.s32 @!p1 $0x0  }
0x14: {  	s2 =	sld [smem:$0x3F99];
	s0 =	simm.s32 @p1 $0x1  }
0x15: {  	[smem:$0x3FB6] =	sst s0;
	s0 =	simm.s32 @!p2 $0x0  }
0x16: {  	s3 =	sld [smem:$0x3FDB];
	s0 =	simm.s32 @p2 $0x1  }
0x17: {  	s4 =	simm.s32 $0x1BF5;
	[smem:$0x3FB8] =	sst s0  }
0x18: {  	s0 =	sld [smem:$0x3F9B];
	_ =	swait.ge [sflag:s4], $0x0  }
0x19: {  	s7 =	sld [smem:$0x3F9C]  }
0x1a: {  	s8 =	sadd.s32 $0xFFFFE003, lr  }
0x1b: {  	s9 =	sadd.s32 $0xFFFFFEF7, lr;
	s5 =	simm.s32 $0xFFFFFFFF;
	p2 =	slt.u32 s8, $0xFFFFF086  }
0x1c: {  	p1 =	slt.u32 s9, $0xF7A;
	s5 =	simm.s32 @!p2 $0x0  }
0x1d: {  	s5 =	simm.s32 @p1 $0x1;
	p0 =	seq.s32 s7, s2  }
0x1e: {  	s7 =	smul.u32 @!p0 $0xF7A, s2;
	p2 =	seq.s32 @!p0 s5, $0x0  }
0x1f: {  	s9 =	smul.u32 $0xF7A, s1;
	s8 =	simm.s32 @!p0 $0x1BF5;
	p2 =	por !p2, p0  }
0x20: {  	[sflag:s8] =	ssyncset.s32 @!p0 $0xFFFFF086;
	s6 =	sadd.s32 @!p0 s3, s7;
	s7 =	simm.s32 @!p0 $0x108  }
0x21: {  	s3 =	sadd.s32 s3, s9;
	s6 =	sadd.s32 @!p0 $0x88, s6;
	s7 =	simm.s32 @p2 $0x1082  }
0x22: {  	[simem:s7], [sflag:s8] =	dma.local @!p0 [hbm:s6], $0xF7A  }
0x23: {  	s9 =	sor.u32 $0xD0000000, s2;
	s6 =	simm.s32 $0x108;
	_ =	swait.ge @!p0 [sflag:s8], $0x0  }
0x24: {  	s3 =	sadd.s32 $0x88, s3;
	s6 =	simm.s32 @!p1 $0x1082;
	[sflag:s4] =	ssyncset.s32 $0xFFFFF086  }
0x25: {  	[simem:s6], [sflag:s4] =	dma.local [hbm:s3], $0xF7A  }
0x26: {  	[smem:$0x3F9C] =	sst s1;
	(tag) =	ssettag s2;
	_ =	strace s9  }
0x27: {  	s1 =	sld [smem:$0x3FAC]  }
0x28: {  	s2 =	sld [smem:$0x3FAD]  }
0x29: {  	s4 =	sld [smem:$0x3FAF]  }
0x2a: {  	p0 =	seq.s32 s5, $0x0;
	s5 =	sld [smem:$0x3FB0]  }
0x2b: {  	s6 =	sld [smem:$0x3FB1]  }
0x2c: {  	s7 =	sld [smem:$0x3FB2]  }
0x2d: {  	s3 =	simm.s32 $0x108;
	s8 =	sld [smem:$0x3FB3]  }
0x2e: {  	s3 =	simm.s32 @!p0 $0x1082;
	s9 =	sld [smem:$0x3FB4]  }
0x2f: {  	lr =	sadd.s32 s0, s3;
	s0 =	sld [smem:$0x3FAB]  }
0x30: {  	s3 =	sld [smem:$0x3FAE]  }
0x31: {  	[smem:$0x3FB7] =	sst s10  }
0x32: {  	s10 =	sld [smem:$0x3FB5];
	_ =	sdelay $0x3  }
0x33: {  	p0 =	seq.s32 s10, $0x1;
	s10 =	sld [smem:$0x3FB7];
	_ =	sdelay $0x3  }
0x34: {  	[smem:$0x3FB7] =	sst s10  }
0x35: {  	s10 =	sld [smem:$0x3FB6];
	_ =	sdelay $0x3  }
0x36: {  	p1 =	seq.s32 s10, $0x1;
	s10 =	sld [smem:$0x3FB7];
	_ =	sdelay $0x3  }
0x37: {  	[smem:$0x3FB7] =	sst s10  }
0x38: {  	s10 =	sld [smem:$0x3FB8]  }
0x39: {  	_ = 	snop;
	(pc) =	sbr.ind lr, $3  }
0x3a: {  	_ = 	snop  }
0x3b: {  	_ = 	snop  }
0x3c: {  	p2 =	seq.s32 s10, $0x1;
	s10 =	sld [smem:$0x3FB7]  }
0x3d: {  	_ =	shalt  }
0x3e: {  	_ =	shalt  }
0x3f: {  	_ =	shalt  }
0x40: {  	_ =	shalt  }
0x41: {  	_ =	shalt  }
0x42: {  	_ =	shalt  }
0x43: {  	_ =	shalt  }
0x44: {  	_ =	shalt  }
0x45: {  	_ =	shalt  }
0x46: {  	_ =	shalt  }
0x47: {  	_ =	shalt  }
0x48: {  	_ =	shalt  }
0x49: {  	_ =	shalt  }
0x4a: {  	_ =	shalt  }
0x4b: {  	_ =	shalt  }
0x4c: {  	_ =	shalt  }
0x4d: {  	_ =	shalt  }
0x4e: {  	_ =	shalt  }
0x4f: {  	_ =	shalt  }
0x50: {  	_ =	shalt  }
0x51: {  	_ =	shalt  }
0x52: {  	_ =	shalt  }
0x53: {  	_ =	shalt  }
0x54: {  	_ =	shalt  }
0x55: {  	_ =	shalt  }
0x56: {  	_ =	shalt  }
0x57: {  	_ =	shalt  }
0x58: {  	_ =	shalt  }
0x59: {  	_ =	shalt  }
0x5a: {  	_ =	shalt  }
0x5b: {  	_ =	shalt  }
0x5c: {  	_ =	shalt  }
0x5d: {  	_ =	shalt  }
0x5e: {  	_ =	shalt  }
0x5f: {  	_ =	shalt  }
0x60: {  	_ =	shalt  }
0x61: {  	_ =	shalt  }
0x62: {  	_ =	shalt  }
0x63: {  	_ =	shalt  }
0x64: {  	_ =	shalt  }
0x65: {  	_ =	shalt  }
0x66: {  	_ =	shalt  }
0x67: {  	_ =	shalt  }
0x68: {  	_ =	shalt  }
0x69: {  	_ =	shalt  }
0x6a: {  	_ =	shalt  }
0x6b: {  	_ =	shalt  }
0x6c: {  	_ =	shalt  }
0x6d: {  	_ =	shalt  }
0x6e: {  	_ =	shalt  }
0x6f: {  	_ =	shalt  }
0x70: {  	_ =	shalt  }
0x71: {  	_ =	shalt  }
0x72: {  	_ =	shalt  }
0x73: {  	_ =	shalt  }
0x74: {  	_ =	shalt  }
0x75: {  	_ =	shalt  }
0x76: {  	_ =	shalt  }
0x77: {  	_ =	shalt  }
0x78: {  	_ =	shalt  }
0x79: {  	_ =	shalt  }
0x7a: {  	_ =	shalt  }
0x7b: {  	_ =	shalt  }
0x7c: {  	_ =	shalt  }
0x7d: {  	_ =	shalt  }
0x7e: {  	_ =	shalt  }
0x7f: {  	_ =	shalt  }
0x80: {  	_ =	shalt  }
0x81: {  	_ =	shalt  }
0x82: {  	_ =	shalt  }
0x83: {  	_ =	shalt  }
0x84: {  	_ =	shalt  }
0x85: {  	_ =	shalt  }
0x86: {  	_ =	shalt  }
0x87: {  	_ =	shalt  }
.Lfunc_end0:
.L_simem_size_0:
called_computation_lowered:
.L_overlay_start_0:
0x88: {  	s2 =	sld [smem:$0x3FD9]  }
0x89: {  	s3 =	sld [smem:$0x3FFE];
	_ =	sdelay $0x1  }
0x8a: {  	s1 =	srdreg.scid  }
0x8b: {  	s0 =	sand.u32 $0x1, s1  }
0x8c: {  	s17 =	sshll.u32 s0, $0xA;
	s2 =	sadd.s32 s3, s2  }
0x8d: {  	s2 =	sadd.s32 s2, s17  }
0x8e: {  	[smem:$0x3FC3] =	sst s2  }
0x8f: {  	_ = 	snop  }
0x90: {  	s2 =	sld [smem:$0x3FD0];
	(tm) =	ssettm $0x1  }
0x91: {  	s18 =	sld [smem:$0x3FFB];
	_ =	sdelay $0x3  }
0x92: {  	_ =	strace s18  }
0x93: {  	s3 =	sld [smem:$0x3FFC];
	_ =	sdelay $0x3  }
0x94: {  	_ =	strace s3  }
0x95: {  	s3 =	sld [smem:$0x3FFD];
	_ =	sdelay $0x3  }
0x96: {  	_ =	strace s3  }
0x97: {  	_ =	strace $0x8FFFFFFF  }
0x98: {  	s19 =	sld [smem:$0x3FDB];
	_ =	sdelay $0x1  }
0x99: {  	s4 =	simm.s32 $_scs_section_size  }
0x9a: {  	s5 =	simm.s32 $_size__tile_overlayer_lowered;
	s6 =	simm.s32 $_tile_overlayer_lowered  }
0x9b: {  	s22 =	simm.s32 $0x1BFF;
	s21 =	sshll.u32 s6, $0x1;
	s3 =	sadd.s32 s4, s19  }
0x9c: {  	s7 =	simm.s32 $0x0;
	s20 =	sshll.u32 s5, $0x1;
	s5 =	sadd.s32 s21, s3  }
0x9d: {  	[timem:s7], [sflag:s22] =	dma.local [hbm:s5], s20  }
0x9e: {  	_ =	swait.ge [sflag:s22], s20  }
0x9f: {  	s4 =	ssub.s32 $0x0, s20;
	[sflag:s22] =	ssyncset.done $0x0  }
0xa0: {  	[sflag:s22] =	ssyncadd.s32 s4;
	_ =	sdelay $0x1  }
0xa1: {  	s23 =	simm.s32 $0x1B8B  }
0xa2: {  	_ =	swait.ge [sflag:s23], $0x1  }
0xa3: {  	[sflag:s23] =	ssyncset.done $0x0  }
0xa4: {  	s25 =	simm.s32 $0x1B8E;
	s24 =	sld [smem:$0x3FFE];
	[sflag:s23] =	ssyncadd.s32 $0xFFFFFFFF  }
0xa5: {  	s26 =	simm.s32 $execute0_lowered;
	[smem:$0x3FD2] =	sst s25  }
0xa6: {  	s5 =	sshll.u32 s26, $0x1;
	_ =	strace $0x80000046;
	[dreg:$0x1] =	wrdreg $0xFFFFFFFF  }
0xa7: {  	s28 =	simm.s32 $_size_execute0_lowered;
	s3 =	sadd.s32 s3, s5;
	[dreg:$0x0] =	wrdreg $0x0  }
0xa8: {  	s5 =	sshll.u32 s28, $0x1;
	[dreg:$0x2] =	wrdreg s3  }
0xa9: {  	[dreg:$0x3] =	wrdreg s5  }
0xaa: {  	[dreg:$0x4] =	wrdreg $0xC0  }
0xab: {  	_ =	task [dreg:s7], $0x5FFFF  }
0xac: {  	[dreg:$0x1] =	wrdreg $0xFFFFFFFF  }
0xad: {  	[dreg:$0x0] =	wrdreg $0x60  }
0xae: {  	[dreg:$0x2] =	wrdreg s2  }
0xaf: {  	[dreg:$0x3] =	wrdreg s24  }
0xb0: {  	[dreg:$0x4] =	wrdreg $0xB3000  }
0xb1: {  	[dreg:$0x5] =	wrdreg $0x9  }
0xb2: {  	_ =	task.clear_ibuf [dreg:s7], $0x6FFFF;
	_ =	strace $0x90000046  }
0xb3: {  	s29 =	simm.s32 $0x9;
	_ =	strace $0x80000048  }
0xb4: {  	_ =	swait.ge [sflag:s29], $0x1  }
0xb5: {  	[sflag:s29] =	ssyncadd.s32 $0xFFFFFFFF  }
0xb6: {  	_ =	strace $0x90000048  }
0xb7: {  	_ =	sfence  }
0xb8: {  	s30 =	sld [smem:$0x0];
	_ =	sdelay $0x2  }
0xb9: {  	s31 =	sshll.u32 s1, $0xD;
	s1 =	sshrl.u32 s1, $0x2  }
0xba: {  	s3 =	sand.u32 $0x4000, s31;
	s1 =	sadd.s32 s1, s30  }
0xbb: {  	s0 =	sor.u32 s3, s0;
	s1 =	sshll.u32 s1, $0x11  }
0xbc: {  	s0 =	sor.u32 s1, s0  }
0xbd: {  	s0 =	sadd.s32 $0x8F2B, s0  }
0xbe: {  	[sflag:s0] =	ssyncadd.remote.s32 $0x1  }
0xbf: {  	_ =	sfence.sel $0xFFFF  }
0xc0: {  	[dreg:$0x0] =	wrdreg $0xFFFFFFFF;
	(pc) =	sbr.abs _section_cstart, $3  }
0xc1: {  	[dreg:$0x1] =	wrdreg $0xFFFFFFFF  }
0xc2: {  	_ =	task.clear_ibuf [dreg:s7], $0x2FFFF;
	_ =	strace $0x9FFFFFFF  }
0xc3: {  	(tm) =	ssettm $0x7FFFFFFF  }
tec
execute0_lowered:
.L_overlay_start_1:
0x0: {  	(tag) =	ssettag $0x1  }
0x1: {  	s1 =	rddreg [dreg:$0x0]  }
0x2: {  	s0 =	srdreg.scid;
	s4 =	rddreg [dreg:$0x1]  }
0x3: {  	s14 =	stileid.u32;
	s3 =	rddreg [dreg:$0x2]  }
0x4: {  	s6 =	simm.s32 $0x0;
	s10 =	simm.s32 $0x80;
	s11 =	simm.s32 $0x400  }
0x5: {  	s12 =	simm.s32 $0xB;
	s13 =	simm.s32 $0x2780;
	s16 =	simm.s32 $0x28  }
0x6: {  	s17 =	simm.s32 $0x4F00;
	s18 =	simm.s32 $0x6300;
	s20 =	simm.s32 $0x7700  }
0x7: {  	s29 =	simm.s32 $0x6;
	s31 =	simm.s32 $0x3;
	s28 =	simm.s32 $0x8  }
0x8: {  	s19 =	simm.s32 $0xA;
	s30 =	simm.s32 $0x0;
	s0 =	sand.u32 $0x1, s0  }
0x9: {  	s5 =	sshll.u32 s14, $0x7;
	s21 =	smul.u32 $0x14000, s14;
	[smem:$0x7FF] =	sst s6  }
0xa: {  	s8 =	smul.u32 $0x50000, s14;
	s26 =	sshll.u32 s14, $0x6;
	s2 =	sshll.u32 s0, $0x4  }
0xb: {  	s5 =	sand.u32 $0x380, s5;
	s22 =	smul.u32 $0x140000, s0;
	_ =	strace $0x80000047  }
0xc: {  	s0 =	ssub.s32 $0x2, s0;
	s2 =	sor.u32 s14, s2;
	s7 =	sshrl.u32 s21, $0x3  }
0xd: {  	s23 =	sshrl.u32 s0, $0x1;
	s25 =	sshrl.u32 s8, $0x2;
	s2 =	sshrl.u32 s2, $0x3  }
0xe: {  	s14 =	sor.u32 $0x1C0B, s26;
	s26 =	simm.s32 $0x2;
	s2 =	smul.u32 $0x13C00, s2  }
0xf: {  	s7 =	sadd.s32 s7, s4;
	s0 =	ssub.s32 s0, s23;
	s23 =	simm.s32 $0x1  }
0x10: {  	s7 =	sadd.s32 $0x14E00, s7;
	s9 =	smax.u32 s0, $0x1;
	s2 =	sor.u32 s5, s2  }
0x11: {  	s0 =	simm.s32 $0x7;
	s5 =	sadd.s32 s21, s22;
	s2 =	sshrl.u32 s2, $0x3  }
0x12: {  	s22 =	simm.s32 $0x8B00;
	s5 =	sshrl.u32 s5, $0x3;
	s2 =	sadd.s32 s2, s4  }
0x13: {  	s21 =	simm.s32 $0x4;
	s4 =	sadd.s32 s5, s4;
	s24 =	sadd.s32 $0xB000, s2  }
0x14: {  	s2 =	sadd.s32 $0x1200, s2;
	s8 =	sadd.s32 $0x3CE00, s4;
	[dreg:$0x4] =	wrdreg s24  }
0x15: {  	[dreg:$0x5] =	wrdreg s2;
	s2 =	sadd.s32 s25, s3;
	s25 =	simm.s32 $0x9F00  }
0x16: {  	s24 =	simm.s32 $0x9;
	s15 =	sshrl.u32 s2, $0x3;
	s2 =	simm.s32 $0x5  }
.LBB2_1:
0x17: {  	s4 =	simm.s32 $0x0;
	s5 =	rddreg [dreg:$0x4]  }
0x18: {  	[tilespmem:s4], [sflag:$0xB] =	stream.strided.gather [hbm4b:s5+s10], $0x2780, s11, s10, $0x38;
	[tilespmem:$0x1F300] =	vst v63  }
0x19: {  	_ =	swait.ge [sflag:s12], $0x2780  }
0x1a: {  	[sflag:s12] =	ssyncset.done $0x0  }
0x1b: {  	s6 =	rddreg [dreg:$0x5];
	[sflag:s12] =	ssyncadd.s32 $0xFFFFD880  }
0x1c: {  	[tilespmem:s13], [sflag:$0xB] =	stream.strided.gather [hbm4b:s6+s10], $0x2780, s11, s10, $0x38;
	[tilespmem:$0x1F300] =	vst v63  }
0x1d: {  	_ =	swait.ge [sflag:s12], $0x2780  }
0x1e: {  	[sflag:s12] =	ssyncset.done $0x0  }
0x1f: {  	[sflag:s12] =	ssyncadd.s32 $0xFFFFD880  }
0x20: {  	[spmem:s15], [sflag:s14] =	dma.local [hbm:s7], $0x2800  }
0x21: {  	_ =	swait.ge [sflag:s12], $0x2800  }
0x22: {  	[sflag:s12] =	ssyncset.done $0x0  }
0x23: {  	[sflag:s12] =	ssyncadd.s32 $0xFFFFD800  }
0x24: {  	[bflag:$0x0] =	sbarrier.arrive $0xFFFF  }
0x25: {  	[tilespmem:s17], [sflag:$0x1] =	stream.indirect.gather [hbm4b:s1+s16], $0x80, s4, s16, $0xb8;
	[tilespmem:$0x1F300] =	vst v63  }
0x26: {  	_ = 	snop  }
0x27: {  	[tilespmem:s18], [sflag:$0x2] =	stream.indirect.gather [hbm4b:s1+s16], $0x80, s16, s16, $0xb8;
	[tilespmem:$0x1F300] =	vst v63  }
0x28: {  	s5 =	simm.s32 $0x50  }
0x29: {  	[tilespmem:s20], [sflag:$0x3] =	stream.indirect.gather [hbm4b:s1+s16], $0x80, s5, s16, $0xb8;
	[tilespmem:$0x1F300] =	vst v63  }
0x2a: {  	s6 =	simm.s32 $0x78  }
0x2b: {  	[tilespmem:s22], [sflag:$0x4] =	stream.indirect.gather [hbm4b:s1+s16], $0x80, s6, s16, $0xb8;
	[tilespmem:$0x1F300] =	vst v63  }
0x2c: {  	_ =	swait.ge [sflag:s23], $0x1400  }
0x2d: {  	[sflag:s23] =	ssyncset.done $0x0  }
0x2e: {  	[sflag:s23] =	ssyncadd.s32 $0xFFFFEC00  }
0x2f: {  	[spmem:s3] =	stream.indirect.scatter.add.f32 [tilespmem:s17], [sflag:$0x6], $0x80, s13, s16, $0xb8;
	[tilespmem:$0x1F300] =	vst v63  }
0x30: {  	s5 =	simm.s32 $0xA0  }
0x31: {  	[tilespmem:s25], [sflag:$0x5] =	stream.indirect.gather [hbm4b:s1+s16], $0x80, s5, s16, $0xb8;
	[tilespmem:$0x1F300] =	vst v63  }
0x32: {  	_ =	swait.ge [sflag:s26], $0x1400  }
0x33: {  	[sflag:s26] =	ssyncset.done $0x0  }
0x34: {  	s6 =	simm.s32 $0x27A8;
	[sflag:s26] =	ssyncadd.s32 $0xFFFFEC00  }
0x35: {  	[spmem:s3] =	stream.indirect.scatter.add.f32 [tilespmem:s18], [sflag:$0x7], $0x80, s6, s16, $0xb8;
	[tilespmem:$0x1F300] =	vst v63  }
0x36: {  	_ =	swait.ge [sflag:s29], $0x1400  }
0x37: {  	[sflag:s29] =	ssyncset.done $0x0  }
0x38: {  	s5 =	simm.s32 $0xC8;
	[sflag:s29] =	ssyncadd.s32 $0xFFFFEC00  }
0x39: {  	[tilespmem:s17], [sflag:$0x1] =	stream.indirect.gather [hbm4b:s1+s16], $0x80, s5, s16, $0xb8;
	[tilespmem:$0x1F300] =	vst v63  }
0x3a: {  	_ =	swait.ge [sflag:s31], $0x1400  }
0x3b: {  	[sflag:s31] =	ssyncset.done $0x0  }
0x3c: {  	s6 =	simm.s32 $0x27D0;
	[sflag:s31] =	ssyncadd.s32 $0xFFFFEC00  }
0x3d: {  	[spmem:s3] =	stream.indirect.scatter.add.f32 [tilespmem:s20], [sflag:$0x8], $0x80, s6, s16, $0xb8;
	[tilespmem:$0x1F300] =	vst v63  }
0x3e: {  	_ =	swait.ge [sflag:s0], $0x1400  }
0x3f: {  	[sflag:s0] =	ssyncset.done $0x0  }
0x40: {  	s5 =	simm.s32 $0xF0;
	[sflag:s0] =	ssyncadd.s32 $0xFFFFEC00  }
0x41: {  	[tilespmem:s18], [sflag:$0x2] =	stream.indirect.gather [hbm4b:s1+s16], $0x80, s5, s16, $0xb8;
	[tilespmem:$0x1F300] =	vst v63  }
0x42: {  	_ =	swait.ge [sflag:s21], $0x1400  }
0x43: {  	[sflag:s21] =	ssyncset.done $0x0  }
0x44: {  	s6 =	simm.s32 $0x27F8;
	[sflag:s21] =	ssyncadd.s32 $0xFFFFEC00  }
0x45: {  	[spmem:s3] =	stream.indirect.scatter.add.f32 [tilespmem:s22], [sflag:$0x9], $0x80, s6, s16, $0xb8;
	[tilespmem:$0x1F300] =	vst v63  }
0x46: {  	_ =	swait.ge [sflag:s28], $0x1400  }
0x47: {  	[sflag:s28] =	ssyncset.done $0x0  }
0x48: {  	s5 =	simm.s32 $0x118;
	[sflag:s28] =	ssyncadd.s32 $0xFFFFEC00  }
0x49: {  	[tilespmem:s20], [sflag:$0x3] =	stream.indirect.gather [hbm4b:s1+s16], $0x80, s5, s16, $0xb8;
	[tilespmem:$0x1F300] =	vst v63  }
0x4a: {  	_ =	swait.ge [sflag:s2], $0x1400  }
0x4b: {  	[sflag:s2] =	ssyncset.done $0x0  }
0x4c: {  	s6 =	simm.s32 $0x2820;
	[sflag:s2] =	ssyncadd.s32 $0xFFFFEC00  }
0x4d: {  	[spmem:s3] =	stream.indirect.scatter.add.f32 [tilespmem:s25], [sflag:$0xA], $0x80, s6, s16, $0xb8;
	[tilespmem:$0x1F300] =	vst v63  }
0x4e: {  	_ =	swait.ge [sflag:s24], $0x1400  }
0x4f: {  	[sflag:s24] =	ssyncset.done $0x0  }
0x50: {  	s5 =	simm.s32 $0x140;
	[sflag:s24] =	ssyncadd.s32 $0xFFFFEC00  }
0x51: {  	[tilespmem:s22], [sflag:$0x4] =	stream.indirect.gather [hbm4b:s1+s16], $0x80, s5, s16, $0xb8;
	[tilespmem:$0x1F300] =	vst v63  }
0x52: {  	_ =	swait.ge [sflag:s23], $0x1400  }
0x53: {  	[sflag:s23] =	ssyncset.done $0x0  }
0x54: {  	s6 =	simm.s32 $0x2848;
	[sflag:s23] =	ssyncadd.s32 $0xFFFFEC00  }
0x55: {  	[spmem:s3] =	stream.indirect.scatter.add.f32 [tilespmem:s17], [sflag:$0x6], $0x80, s6, s16, $0xb8;
	[tilespmem:$0x1F300] =	vst v63  }
0x56: {  	_ =	swait.ge [sflag:s19], $0x1400  }
0x57: {  	[sflag:s19] =	ssyncset.done $0x0  }
0x58: {  	s5 =	simm.s32 $0x168;
	[sflag:s19] =	ssyncadd.s32 $0xFFFFEC00  }
0x59: {  	[tilespmem:s25], [sflag:$0x5] =	stream.indirect.gather [hbm4b:s1+s16], $0x80, s5, s16, $0xb8;
	[tilespmem:$0x1F300] =	vst v63  }
0x5a: {  	_ =	swait.ge [sflag:s26], $0x1400  }
0x5b: {  	[sflag:s26] =	ssyncset.done $0x0  }
0x5c: {  	s6 =	simm.s32 $0x2870;
	[sflag:s26] =	ssyncadd.s32 $0xFFFFEC00  }
0x5d: {  	[spmem:s3] =	stream.indirect.scatter.add.f32 [tilespmem:s18], [sflag:$0x7], $0x80, s6, s16, $0xb8;
	[tilespmem:$0x1F300] =	vst v63  }
0x5e: {  	_ =	swait.ge [sflag:s29], $0x1400  }
0x5f: {  	[sflag:s29] =	ssyncset.done $0x0  }
0x60: {  	s5 =	simm.s32 $0x190;
	[sflag:s29] =	ssyncadd.s32 $0xFFFFEC00  }
0x61: {  	[tilespmem:s17], [sflag:$0x1] =	stream.indirect.gather [hbm4b:s1+s16], $0x80, s5, s16, $0xb8;
	[tilespmem:$0x1F300] =	vst v63  }
0x62: {  	_ =	swait.ge [sflag:s31], $0x1400  }
0x63: {  	[sflag:s31] =	ssyncset.done $0x0  }
0x64: {  	s6 =	simm.s32 $0x2898;
	[sflag:s31] =	ssyncadd.s32 $0xFFFFEC00  }
0x65: {  	[spmem:s3] =	stream.indirect.scatter.add.f32 [tilespmem:s20], [sflag:$0x8], $0x80, s6, s16, $0xb8;
	[tilespmem:$0x1F300] =	vst v63  }
0x66: {  	_ =	swait.ge [sflag:s0], $0x1400  }
0x67: {  	[sflag:s0] =	ssyncset.done $0x0  }
0x68: {  	s5 =	simm.s32 $0x1B8;
	[sflag:s0] =	ssyncadd.s32 $0xFFFFEC00  }
0x69: {  	[tilespmem:s18], [sflag:$0x2] =	stream.indirect.gather [hbm4b:s1+s16], $0x80, s5, s16, $0xb8;
	[tilespmem:$0x1F300] =	vst v63  }
0x6a: {  	_ =	swait.ge [sflag:s21], $0x1400  }
0x6b: {  	[sflag:s21] =	ssyncset.done $0x0  }
0x6c: {  	s6 =	simm.s32 $0x28C0;
	[sflag:s21] =	ssyncadd.s32 $0xFFFFEC00  }
0x6d: {  	[spmem:s3] =	stream.indirect.scatter.add.f32 [tilespmem:s22], [sflag:$0x9], $0x80, s6, s16, $0xb8;
	[tilespmem:$0x1F300] =	vst v63  }
0x6e: {  	_ =	swait.ge [sflag:s28], $0x1400  }
0x6f: {  	[sflag:s28] =	ssyncset.done $0x0  }
0x70: {  	s5 =	simm.s32 $0x1E0;
	[sflag:s28] =	ssyncadd.s32 $0xFFFFEC00  }
0x71: {  	[tilespmem:s20], [sflag:$0x3] =	stream.indirect.gather [hbm4b:s1+s16], $0x80, s5, s16, $0xb8;
	[tilespmem:$0x1F300] =	vst v63  }
0x72: {  	_ =	swait.ge [sflag:s2], $0x1400  }
0x73: {  	[sflag:s2] =	ssyncset.done $0x0  }
0x74: {  	s6 =	simm.s32 $0x28E8;
	[sflag:s2] =	ssyncadd.s32 $0xFFFFEC00  }
0x75: {  	[spmem:s3] =	stream.indirect.scatter.add.f32 [tilespmem:s25], [sflag:$0xA], $0x80, s6, s16, $0xb8;
	[tilespmem:$0x1F300] =	vst v63  }
0x76: {  	_ =	swait.ge [sflag:s24], $0x1400  }
0x77: {  	[sflag:s24] =	ssyncset.done $0x0  }
0x78: {  	s4 =	simm.s32 $0x320;
	s5 =	simm.s32 $0x208;
	[sflag:s24] =	ssyncadd.s32 $0xFFFFEC00  }
.LBB2_2:
0x79: {  	[tilespmem:s22], [sflag:$0x4] =	stream.indirect.gather [hbm4b:s1+s16], $0x80, s5, s16, $0xb8;
	[tilespmem:$0x1F300] =	vst v63  }
0x7a: {  	s5 =	smov.u32 s4  }
0x7b: {  	p0 =	sne.s32 s4, $0x92E0;
	s4 =	sadd.s32 $0x320, s4;
	_ =	swait.ge [sflag:s23], $0x1400  }
0x7c: {  	s5 =	sshra.s32 s5, $0x2;
	[sflag:s23] =	ssyncset.done $0x0  }
0x7d: {  	s6 =	sadd.s32 $0x2848, s5;
	[sflag:s23] =	ssyncadd.s32 $0xFFFFEC00  }
0x7e: {  	[spmem:s3] =	stream.indirect.scatter.add.f32 [tilespmem:s17], [sflag:$0x6], $0x80, s6, s16, $0xb8;
	[tilespmem:$0x1F300] =	vst v63  }
0x7f: {  	_ =	swait.ge [sflag:s19], $0x1400  }
0x80: {  	[sflag:s19] =	ssyncset.done $0x0  }
0x81: {  	s6 =	sadd.s32 $0x168, s5;
	[sflag:s19] =	ssyncadd.s32 $0xFFFFEC00  }
0x82: {  	[tilespmem:s25], [sflag:$0x5] =	stream.indirect.gather [hbm4b:s1+s16], $0x80, s6, s16, $0xb8;
	[tilespmem:$0x1F300] =	vst v63  }
0x83: {  	_ =	swait.ge [sflag:s26], $0x1400  }
0x84: {  	[sflag:s26] =	ssyncset.done $0x0  }
0x85: {  	s6 =	sadd.s32 $0x2870, s5;
	[sflag:s26] =	ssyncadd.s32 $0xFFFFEC00  }
0x86: {  	[spmem:s3] =	stream.indirect.scatter.add.f32 [tilespmem:s18], [sflag:$0x7], $0x80, s6, s16, $0xb8;
	[tilespmem:$0x1F300] =	vst v63  }
0x87: {  	_ =	swait.ge [sflag:s29], $0x1400  }
0x88: {  	[sflag:s29] =	ssyncset.done $0x0  }
0x89: {  	s6 =	sadd.s32 $0x190, s5;
	[sflag:s29] =	ssyncadd.s32 $0xFFFFEC00  }
0x8a: {  	[tilespmem:s17], [sflag:$0x1] =	stream.indirect.gather [hbm4b:s1+s16], $0x80, s6, s16, $0xb8;
	[tilespmem:$0x1F300] =	vst v63  }
0x8b: {  	_ =	swait.ge [sflag:s31], $0x1400  }
0x8c: {  	[sflag:s31] =	ssyncset.done $0x0  }
0x8d: {  	s6 =	sadd.s32 $0x2898, s5;
	[sflag:s31] =	ssyncadd.s32 $0xFFFFEC00  }
0x8e: {  	[spmem:s3] =	stream.indirect.scatter.add.f32 [tilespmem:s20], [sflag:$0x8], $0x80, s6, s16, $0xb8;
	[tilespmem:$0x1F300] =	vst v63  }
0x8f: {  	_ =	swait.ge [sflag:s0], $0x1400  }
0x90: {  	[sflag:s0] =	ssyncset.done $0x0  }
0x91: {  	s6 =	sadd.s32 $0x1B8, s5;
	[sflag:s0] =	ssyncadd.s32 $0xFFFFEC00  }
0x92: {  	[tilespmem:s18], [sflag:$0x2] =	stream.indirect.gather [hbm4b:s1+s16], $0x80, s6, s16, $0xb8;
	[tilespmem:$0x1F300] =	vst v63  }
0x93: {  	_ =	swait.ge [sflag:s21], $0x1400  }
0x94: {  	[sflag:s21] =	ssyncset.done $0x0  }
0x95: {  	s6 =	sadd.s32 $0x28C0, s5;
	[sflag:s21] =	ssyncadd.s32 $0xFFFFEC00  }
0x96: {  	[spmem:s3] =	stream.indirect.scatter.add.f32 [tilespmem:s22], [sflag:$0x9], $0x80, s6, s16, $0xb8;
	[tilespmem:$0x1F300] =	vst v63  }
0x97: {  	_ =	swait.ge [sflag:s28], $0x1400  }
0x98: {  	[sflag:s28] =	ssyncset.done $0x0  }
0x99: {  	s6 =	sadd.s32 $0x1E0, s5;
	[sflag:s28] =	ssyncadd.s32 $0xFFFFEC00  }
0x9a: {  	[tilespmem:s20], [sflag:$0x3] =	stream.indirect.gather [hbm4b:s1+s16], $0x80, s6, s16, $0xb8;
	[tilespmem:$0x1F300] =	vst v63  }
0x9b: {  	_ =	swait.ge [sflag:s2], $0x1400  }
0x9c: {  	[sflag:s2] =	ssyncset.done $0x0  }
.Ltmp0:
0x9d: {  	s6 =	sadd.s32 $0x28E8, s5;
	[sflag:s2] =	ssyncadd.s32 $0xFFFFEC00;
	(pc) =	sbr.rel @p0 .LBB2_2-.Ltmp0, $4  }
0x9e: {  	[spmem:s3] =	stream.indirect.scatter.add.f32 [tilespmem:s25], [sflag:$0xA], $0x80, s6, s16, $0xb8;
	[tilespmem:$0x1F300] =	vst v63  }
0x9f: {  	_ =	swait.ge [sflag:s24], $0x1400  }
0xa0: {  	[sflag:s24] =	ssyncset.done $0x0  }
0xa1: {  	s5 =	sadd.s32 $0x208, s5;
	[sflag:s24] =	ssyncadd.s32 $0xFFFFEC00  }
0xa2: {  	[tilespmem:s22], [sflag:$0x4] =	stream.indirect.gather [hbm4b:s1+s16], $0x80, s5, s16, $0xb8;
	[tilespmem:$0x1F300] =	vst v63  }
0xa3: {  	_ =	swait.ge [sflag:s23], $0x1400  }
0xa4: {  	[sflag:s23] =	ssyncset.done $0x0  }
0xa5: {  	s4 =	simm.s32 $0x4DC8;
	[sflag:s23] =	ssyncadd.s32 $0xFFFFEC00  }
0xa6: {  	[spmem:s3] =	stream.indirect.scatter.add.f32 [tilespmem:s17], [sflag:$0x6], $0x80, s4, s16, $0xb8;
	[tilespmem:$0x1F300] =	vst v63  }
0xa7: {  	_ =	swait.ge [sflag:s19], $0x1400  }
0xa8: {  	[sflag:s19] =	ssyncset.done $0x0  }
0xa9: {  	s6 =	simm.s32 $0x26E8;
	[sflag:s19] =	ssyncadd.s32 $0xFFFFEC00  }
0xaa: {  	[tilespmem:s25], [sflag:$0x5] =	stream.indirect.gather [hbm4b:s1+s16], $0x80, s6, s16, $0xb8;
	[tilespmem:$0x1F300] =	vst v63  }
0xab: {  	_ =	swait.ge [sflag:s26], $0x1400  }
0xac: {  	[sflag:s26] =	ssyncset.done $0x0  }
0xad: {  	s5 =	simm.s32 $0x4DF0;
	[sflag:s26] =	ssyncadd.s32 $0xFFFFEC00  }
0xae: {  	[spmem:s3] =	stream.indirect.scatter.add.f32 [tilespmem:s18], [sflag:$0x7], $0x80, s5, s16, $0xb8;
	[tilespmem:$0x1F300] =	vst v63  }
0xaf: {  	_ =	swait.ge [sflag:s29], $0x1400  }
0xb0: {  	[sflag:s29] =	ssyncset.done $0x0  }
0xb1: {  	[sflag:s29] =	ssyncadd.s32 $0xFFFFEC00  }
0xb2: {  	_ =	swait.ge [sflag:s31], $0x1400  }
0xb3: {  	[sflag:s31] =	ssyncset.done $0x0  }
0xb4: {  	s6 =	simm.s32 $0x4E18;
	[sflag:s31] =	ssyncadd.s32 $0xFFFFEC00  }
0xb5: {  	[spmem:s3] =	stream.indirect.scatter.add.f32 [tilespmem:s20], [sflag:$0x8], $0x80, s6, s16, $0xb8;
	[tilespmem:$0x1F300] =	vst v63  }
0xb6: {  	_ =	swait.ge [sflag:s0], $0x1400  }
0xb7: {  	[sflag:s0] =	ssyncset.done $0x0  }
0xb8: {  	[sflag:s0] =	ssyncadd.s32 $0xFFFFEC00  }
0xb9: {  	_ =	swait.ge [sflag:s21], $0x1400  }
0xba: {  	[sflag:s21] =	ssyncset.done $0x0  }
0xbb: {  	s5 =	simm.s32 $0x4E40;
	[sflag:s21] =	ssyncadd.s32 $0xFFFFEC00  }
0xbc: {  	[spmem:s3] =	stream.indirect.scatter.add.f32 [tilespmem:s22], [sflag:$0x9], $0x80, s5, s16, $0xb8;
	[tilespmem:$0x1F300] =	vst v63  }
0xbd: {  	_ =	swait.ge [sflag:s28], $0x1400  }
0xbe: {  	[sflag:s28] =	ssyncset.done $0x0  }
0xbf: {  	[sflag:s28] =	ssyncadd.s32 $0xFFFFEC00  }
0xc0: {  	_ =	swait.ge [sflag:s2], $0x1400  }
0xc1: {  	[sflag:s2] =	ssyncset.done $0x0  }
0xc2: {  	s6 =	simm.s32 $0x4E68;
	[sflag:s2] =	ssyncadd.s32 $0xFFFFEC00  }
0xc3: {  	[spmem:s3] =	stream.indirect.scatter.add.f32 [tilespmem:s25], [sflag:$0xA], $0x80, s6, s16, $0xb8;
	[tilespmem:$0x1F300] =	vst v63  }
0xc4: {  	_ =	swait.ge [sflag:s24], $0x1400  }
0xc5: {  	[sflag:s24] =	ssyncset.done $0x0  }
0xc6: {  	[sflag:s24] =	ssyncadd.s32 $0xFFFFEC00  }
0xc7: {  	_ =	swait.ge [sflag:s19], $0x1400  }
0xc8: {  	s30 =	sadd.s32 $0x1, s30;
	[sflag:s19] =	ssyncset.done $0x0  }
0xc9: {  	p0 =	sne.s32 s30, s9;
	[sflag:s19] =	ssyncadd.s32 $0xFFFFEC00  }
.Ltmp1:
0xca: {  	[bflag:$0x0] =	sbarrier.arrive $0xFFFF;
	(pc) =	sbr.rel @p0 .LBB2_1-.Ltmp1, $4  }
0xcb: {  	[hbm:s8], [sflag:s14] =	dma.local [spmem:s15], $0x2800  }
0xcc: {  	_ =	swait.ge [sflag:s12], $0x2800  }
0xcd: {  	[sflag:s12] =	ssyncset.done $0x0  }
0xce: {  	[sflag:s12] =	ssyncadd.s32 $0xFFFFD800  }
0xcf: {  	_ =	sfence.sel $0x180000  }
0xd0: {  	[bflag:$0x0] =	sbarrier.arrive $0xFFFF  }
0xd1: {  	_ =	strace $0x90000047  }
0xd2: {  	s0 =	stileid.u32;
	[bflag:$0x2] =	sbarrier.arrive $0xFFFF  }
0xd3: {  	p0 =	sne.s32 s0, $0x0;
	s0 =	rddreg [dreg:$0x3]  }
0xd4: {  	s0 =	sadd.s32 @!p0 $0x100000, s0  }
0xd5: {  	[sflag:s0] =	ssyncadd.tile.s32 @!p0 $0x1;
	_ =	shalt  }
.Lfunc_end2:
_tile_overlayer_lowered:
.L_overlay_start_2:
0xd6: {  	(tag) =	ssettag $0x2  }
0xd7: {  	s0 =	rddreg [dreg:$0x0];
	s2 =	stileid.u32  }
0xd8: {  	s1 =	rddreg [dreg:$0x1];
	p0 =	sne.s32 s2, $0x0  }
0xd9: {  	s3 =	rddreg [dreg:$0x2];
	[bflag:$0x3] =	sbarrier.arrive $0xFFFF;
	s2 =	simm.s32 @!p0 $0x1C0B  }
0xda: {  	[timem:s3], [sflag:s2] =	dma.local @!p0 [hbm:s0], s1  }
0xdb: {  	s0 =	simm.s32 @!p0 $0xB  }
0xdc: {  	_ =	swait.ge @!p0 [sflag:s0], s1  }
0xdd: {  	s1 =	ssub.s32 @!p0 $0x0, s1;
	[sflag:s0] =	ssyncset.done @!p0 $0x0  }
0xde: {  	[sflag:s0] =	ssyncadd.s32 @!p0 s1  }
0xdf: {  	[bflag:$0x3] =	sbarrier.arrive $0xFFFF  }
0xe0: {  	_ =	shalt  }

</sc_bundles>
